<compile_context>
chip_gen: v7x
topology: tpu7x:2x2x1
jax: 0.10.2.dev20260603
libtpu: 0.0.44.dev20260713+nightly
codegen_flags: <defaults>
</compile_context>

<pallas_src>
import functools

import jax
import jax.numpy as jnp
from jax import lax
from jax.experimental import pallas as pl
from jax.experimental.pallas import tpu as pltpu
from jax.experimental.pallas import tpu_sc as plsc

_N = 10000
_E = 320000
_D = 128
_NC = 2
_NS = 16
_NW = _NC * _NS
_EPW = _E // _NW
_CH = 80
_NCH = _EPW // _CH
_NP = 10240
_RPT = _NP // _NS

_mesh = plsc.VectorSubcoreMesh(core_axis_name="c", subcore_axis_name="s")


@functools.partial(
    pl.kernel,
    out_type=jax.ShapeDtypeStruct((_NC, _NP), jnp.float32),
    mesh=_mesh,
    scratch_types=[
        pltpu.VMEM((_NCH, _CH), jnp.int32),
        pltpu.VMEM((_CH,), jnp.float32),
        pltpu.VMEM((_RPT,), jnp.float32),
        pltpu.VMEM_SHARED((_NP,), jnp.float32),
        pltpu.SemaphoreType.DMA,
    ],
)
def _deg_kernel(dst_hbm, out_hbm, didx_v, ones_v, zbuf_v, deg_sh, dsem):
    c = lax.axis_index("c")
    s = lax.axis_index("s")
    wid = c * _NS + s
    base = pl.multiple_of(s * _RPT, 8)
    pltpu.sync_copy(dst_hbm.at[wid], didx_v)

    @pl.loop(0, _CH // 16)
    def _(i):
        ones_v[pl.ds(i * 16, 16)] = jnp.full((16,), 1.0, jnp.float32)

    @pl.loop(0, _RPT // 16)
    def _(i):
        zbuf_v[pl.ds(i * 16, 16)] = jnp.zeros((16,), jnp.float32)

    pltpu.sync_copy(zbuf_v, deg_sh.at[pl.ds(base, _RPT)])
    plsc.subcore_barrier()

    @pl.loop(0, _NCH // 5)
    def _(b):
        j0 = b * 5
        for k in range(5):
            pltpu.async_copy(ones_v, deg_sh.at[didx_v.at[j0 + k]], dsem,
                             add=True)
        for k in range(5):
            pltpu.make_async_copy(ones_v, deg_sh.at[didx_v.at[j0]],
                                  dsem).wait()

    plsc.subcore_barrier()
    pltpu.sync_copy(deg_sh.at[pl.ds(base, _RPT)],
                    out_hbm.at[c].at[pl.ds(base, _RPT)])


@functools.partial(
    pl.kernel,
    out_type=jax.ShapeDtypeStruct((_NC, _NP, _D), jnp.float32),
    mesh=_mesh,
    scratch_types=[
        pltpu.VMEM((_EPW,), jnp.int32),
        pltpu.VMEM((_NCH, _CH), jnp.int32),
        pltpu.VMEM((_CH, _D), jnp.float32),
        pltpu.VMEM((_CH, _D), jnp.float32),
        pltpu.VMEM_SHARED((_NP, _D), jnp.float32),
        pltpu.SemaphoreType.DMA,
        pltpu.SemaphoreType.DMA,
    ],
)
def _conv_kernel(g_hbm, src_hbm, dst_hbm, acc_hbm,
                 sidx_v, didx_v, rows0_v, rows1_v, acc_sh, sem0, sem1):
    c = lax.axis_index("c")
    s = lax.axis_index("s")
    wid = c * _NS + s
    base = pl.multiple_of(s * _RPT, 8)
    pltpu.sync_copy(src_hbm.at[wid], sidx_v)
    pltpu.sync_copy(dst_hbm.at[wid], didx_v)

    @pl.loop(0, _CH)
    def _(i):
        for k in range(_D // 16):
            rows0_v[i, pl.ds(k * 16, 16)] = jnp.zeros((16,), jnp.float32)

    @pl.loop(0, _RPT // _CH)
    def _(i):
        off = pl.multiple_of(base + i * _CH, 8)
        pltpu.sync_copy(rows0_v, acc_sh.at[pl.ds(off, _CH)])

    plsc.subcore_barrier()

    def _src(j):
        return sidx_v.at[pl.ds(pl.multiple_of(j * _CH, 8), _CH)]

    pltpu.async_copy(g_hbm.at[_src(0)], rows0_v, sem0)

    @pl.loop(0, _NCH // 2)
    def _(p):
        j0 = p * 2
        pltpu.make_async_copy(g_hbm.at[_src(j0)], rows0_v, sem0).wait()
        pltpu.async_copy(g_hbm.at[_src(j0 + 1)], rows1_v, sem1)
        pltpu.sync_copy(rows0_v, acc_sh.at[didx_v.at[j0]], add=True)
        pltpu.make_async_copy(g_hbm.at[_src(j0 + 1)], rows1_v, sem1).wait()
        pltpu.async_copy(g_hbm.at[_src(j0 + 2)], rows0_v, sem0)
        pltpu.sync_copy(rows1_v, acc_sh.at[didx_v.at[j0 + 1]], add=True)

    pltpu.make_async_copy(g_hbm.at[_src(_NCH - 1)], rows0_v, sem0).wait()
    pltpu.sync_copy(rows0_v, acc_sh.at[didx_v.at[_NCH - 1]], add=True)

    plsc.subcore_barrier()
    pltpu.sync_copy(acc_sh.at[pl.ds(base, _RPT)],
                    acc_hbm.at[c].at[pl.ds(base, _RPT)])


def _tc1(deg_ref, x_ref, w_ref, g_ref, dinv_ref):
    deg = (deg_ref[0, :_N] + deg_ref[1, :_N] + 1.0).reshape(_N, 1)
    dinv = lax.rsqrt(deg)
    h = jnp.dot(x_ref[...], w_ref[...], preferred_element_type=jnp.float32)
    g_ref[...] = h * dinv
    dinv_ref[...] = dinv


def _tc2(acc_ref, g1_ref, dinv_ref, b1_ref, w2_ref, g2_ref):
    dinv = dinv_ref[...]
    h1 = jnp.maximum((acc_ref[0, :_N] + acc_ref[1, :_N] + g1_ref[...]) * dinv
                     + b1_ref[...], 0.0)
    g2_ref[...] = jnp.dot(h1, w2_ref[...],
                          preferred_element_type=jnp.float32) * dinv


def _tc3(acc_ref, g2_ref, dinv_ref, b2_ref, aw_ref, att_ref, probs_ref):
    dinv = dinv_ref[...]
    h2 = jnp.maximum((acc_ref[0, :_N] + acc_ref[1, :_N] + g2_ref[...]) * dinv
                     + b2_ref[...], 0.0)
    sc = jnp.dot(h2, aw_ref[...], preferred_element_type=jnp.float32)
    e = jnp.exp(sc - jnp.max(sc))
    p = e / jnp.sum(e)
    att_ref[...] = h2 * p
    probs_ref[...] = p


_tc1_call = pl.pallas_call(
    _tc1,
    out_shape=(jax.ShapeDtypeStruct((_N, _D), jnp.float32),
               jax.ShapeDtypeStruct((_N, 1), jnp.float32)),
)
_tc2_call = pl.pallas_call(
    _tc2,
    out_shape=jax.ShapeDtypeStruct((_N, _D), jnp.float32),
)
_tc3_call = pl.pallas_call(
    _tc3,
    out_shape=(jax.ShapeDtypeStruct((_N, _D), jnp.float32),
               jax.ShapeDtypeStruct((_N, 1), jnp.float32)),
)


def kernel(x, edge_index, W1, b1, W2, b2, att_w):
    src2 = edge_index[0].reshape(_NW, _EPW)
    dst3 = edge_index[1].reshape(_NW, _NCH, _CH)
    b1r = b1.reshape(1, _D)
    b2r = b2.reshape(1, _D)

    deg_parts = _deg_kernel(dst3)
    g1, dinv = _tc1_call(deg_parts, x, W1)
    acc1 = _conv_kernel(g1, src2, dst3)
    g2 = _tc2_call(acc1, g1, dinv, b1r, W2)
    acc2 = _conv_kernel(g2, src2, dst3)
    att, probs = _tc3_call(acc2, g2, dinv, b2r, att_w)
    return att, probs.reshape(_N)

# --- scband reference (transcript-rebuilt; emitter-appended) ---
"""Pipeline reference for scband-gnnencoder-24283745091695 (READ-ONLY COPY).

The authoritative reference and input builder live on the scoring server;
editing this copy changes nothing except your own understanding.
"""

import jax, jax.numpy as jnp
import numpy as np

N = 10000
E = 320000
D = 128
H = 128


def _glorot(key, shape):
    fan_in, fan_out = shape[0], shape[1]
    limit = np.sqrt(6.0 / (fan_in + fan_out))
    return jax.random.uniform(key, shape, dtype=jnp.float32, minval=-limit, maxval=limit)


def setup_inputs(seed: int = 0) -> dict:
    key = jax.random.key(seed)
    ks = jax.random.split(key, 8)
    x = jax.random.normal(ks[0], (N, D), dtype=jnp.float32)
    edge_index = jax.random.randint(ks[1], (2, E), 0, N, dtype=jnp.int32)
    W1 = _glorot(ks[2], (D, H))
    b1 = jnp.zeros((H,), dtype=jnp.float32)
    W2 = _glorot(ks[3], (H, H))
    b2 = jnp.zeros((H,), dtype=jnp.float32)
    att_w = _glorot(ks[4], (H, 1))
    return {"x": x, "edge_index": edge_index, "W1": W1, "b1": b1, "W2": W2, "b2": b2, "att_w": att_w}


def _gcn_layer(x, edge_index, W, b):
    # PyG GCNConv with add_self_loops=True and symmetric normalization
    src = edge_index[0]
    dst = edge_index[1]
    loop = jnp.arange(N, dtype=src.dtype)
    src = jnp.concatenate([src, loop])
    dst = jnp.concatenate([dst, loop])
    deg = jnp.zeros((N,), dtype=jnp.float32).at[dst].add(1.0)
    dinv = jnp.where(deg > 0, jax.lax.rsqrt(jnp.maximum(deg, 1e-12)), 0.0)
    norm = dinv[src] * dinv[dst]
    h = x @ W
    msg = jnp.take(h, src, axis=0) * norm[:, None]
    out = jnp.zeros((N, W.shape[1]), dtype=jnp.float32).at[dst].add(msg)
    return out + b


def reference(x, edge_index, W1, b1, W2, b2, att_w):
    # Layer 1 (dropout is a no-op in eval mode)
    h = jax.nn.relu(_gcn_layer(x, edge_index, W1, b1))
    # Layer 2
    h = jax.nn.relu(_gcn_layer(h, edge_index, W2, b2))
    # Attention module: softmax over all nodes (dim=0)
    scores = (h @ att_w).squeeze(-1)
    probs = jax.nn.softmax(scores, axis=0)
    attended = h * probs[:, None]
    return (attended, probs)

if __name__ == "__main__":
    import jax
    _d = setup_inputs()
    print(jax.jit(kernel)(*tuple(_d.values())))

</pallas_src>

<mosaic_0001>
#map = affine_map<(d0, d1) -> (0, 0, 0)>
#map1 = affine_map<(d0, d1) -> (0, 0)>
module attributes {stable_mosaic.version = 14 : i64} {
  func.func @_deg_kernel(%arg0: i32, %arg1: i32, %arg2: memref<32x125x80xi32, #tpu.memory_space<hbm>>, %arg3: memref<2x10240xf32, #tpu.memory_space<hbm>>, %arg4: memref<125x80xi32, #tpu.memory_space<vmem>>, %arg5: memref<80xf32, #tpu.memory_space<vmem>>, %arg6: memref<640xf32, #tpu.memory_space<vmem>>, %arg7: memref<10240xf32, #tpu.memory_space<vmem_shared>>, %arg8: memref<!tpu.dma_semaphore, #tpu.memory_space<semaphore_mem>>) attributes {dimension_semantics = [#tpu.dimension_semantics<core_parallel>, #tpu.dimension_semantics<subcore_parallel>], iteration_bounds = array<i64: 2, 16>, scalar_prefetch = 0 : i64, scratch_operands = 5 : i64, tpu.core_type = #tpu.core_type<sc_vector_subcore>, window_params = [{transform_indices = #map}, {transform_indices = #map1}]} {
    %mul3A = arith.constant 16 : i32
    %mul3A_0 = arith.muli %arg0, %mul3A : i32
    %add3A = arith.addi %mul3A_0, %arg1 : i32
    %mul3A_1 = arith.constant 640 : i32
    %mul3A_2 = arith.muli %arg1, %mul3A_1 : i32
    %multiple_of3A = tpu.assume_multiple %mul3A_2, 8 : i32
    "tpu.region"() ({
      %run_scoped3A = tpu.sem_alloc : memref<!tpu.dma_semaphore, #tpu.memory_space<semaphore_mem>>
      %dma_start3A = arith.constant 0 : i32
      %dma_start3A_18 = arith.constant 0 : i32
      %dma_start3A_19 = tpu.memref_slice %arg2[%add3A, %dma_start3A, %dma_start3A_18] : memref<32x125x80xi32, #tpu.memory_space<hbm>> -> memref<1x125x80xi32, #tpu.memory_space<hbm>>
      %dma_start3A_20 = tpu.memref_squeeze %dma_start3A_19 : memref<1x125x80xi32, #tpu.memory_space<hbm>> -> memref<125x80xi32, #tpu.memory_space<hbm>>
      %dma_start3A_21 = arith.constant 0 : i32
      %dma_start3A_22 = arith.constant 0 : i32
      %dma_start3A_23 = tpu.memref_slice %arg2[%add3A, %dma_start3A_21, %dma_start3A_22] : memref<32x125x80xi32, #tpu.memory_space<hbm>> -> memref<1x125x80xi32, #tpu.memory_space<hbm>>
      %dma_start3A_24 = tpu.memref_squeeze %dma_start3A_23 : memref<1x125x80xi32, #tpu.memory_space<hbm>> -> memref<125x80xi32, #tpu.memory_space<hbm>>
      tpu.enqueue_dma source(%dma_start3A_24 : memref<125x80xi32, #tpu.memory_space<hbm>>) target(%arg4 : memref<125x80xi32, #tpu.memory_space<vmem>>) target_semaphore(%run_scoped3A : memref<!tpu.dma_semaphore, #tpu.memory_space<semaphore_mem>>)
      %dma_wait3A = arith.constant 0 : i32
      %dma_wait3A_25 = arith.constant 0 : i32
      %dma_wait3A_26 = tpu.memref_slice %arg2[%add3A, %dma_wait3A, %dma_wait3A_25] : memref<32x125x80xi32, #tpu.memory_space<hbm>> -> memref<1x125x80xi32, #tpu.memory_space<hbm>>
      %dma_wait3A_27 = tpu.memref_squeeze %dma_wait3A_26 : memref<1x125x80xi32, #tpu.memory_space<hbm>> -> memref<125x80xi32, #tpu.memory_space<hbm>>
      %dma_wait3A_28 = arith.constant 0 : i32
      %dma_wait3A_29 = arith.constant 0 : i32
      %dma_wait3A_30 = tpu.memref_slice %arg2[%add3A, %dma_wait3A_28, %dma_wait3A_29] : memref<32x125x80xi32, #tpu.memory_space<hbm>> -> memref<1x125x80xi32, #tpu.memory_space<hbm>>
      %dma_wait3A_31 = tpu.memref_squeeze %dma_wait3A_30 : memref<1x125x80xi32, #tpu.memory_space<hbm>> -> memref<125x80xi32, #tpu.memory_space<hbm>>
      tpu.wait_dma2 semaphore(%run_scoped3A : memref<!tpu.dma_semaphore, #tpu.memory_space<semaphore_mem>>) src(%dma_wait3A_31 : memref<125x80xi32, #tpu.memory_space<hbm>>) dst(%arg4 : memref<125x80xi32, #tpu.memory_space<vmem>>)
      tpu.yield
    }) : () -> ()
    %scan3A = arith.constant 0 : i32
    %scan3A_3 = arith.constant 5 : i32
    %scan3A_4 = arith.addi %scan3A, %scan3A_3 : i32
    %scan3A_5 = arith.constant 1 : i32
    scf.for %scan3A_18 = %scan3A to %scan3A_4 step %scan3A_5  : i32 {
      %mul3A_19 = arith.constant 1 : i32
      %mul3A_20 = arith.muli %scan3A_18, %mul3A_19 : i32
      %add3A_21 = arith.constant 0 : i32
      %add3A_22 = arith.addi %add3A_21, %mul3A_20 : i32
      %broadcast_in_dim3A = arith.constant 1.000000e+00 : f32
      %broadcast_in_dim3A_23 = vector.broadcast %broadcast_in_dim3A : f32 to vector<16xf32>
      %mul3A_24 = arith.constant 16 : i32
      %mul3A_25 = arith.muli %add3A_22, %mul3A_24 : i32
      %swap3A = arith.index_cast %mul3A_25 : i32 to index
      %swap3A_26 = tpu.vector_load %arg5[%swap3A] {strides = array<i32>} : memref<80xf32, #tpu.memory_space<vmem>>, vector<16xf32>,
      %swap3A_27 = vector.shape_cast %swap3A_26 : vector<16xf32> to vector<16xf32>
      %swap3A_28 = vector.shape_cast %broadcast_in_dim3A_23 : vector<16xf32> to vector<16xf32>
      tpu.vector_store %arg5[%swap3A], %swap3A_28 {strides = array<i32>} : memref<80xf32, #tpu.memory_space<vmem>>, vector<16xf32>,
    }
    %scan3A_6 = arith.constant 5 : i32
    %scan3A_7 = arith.constant 0 : i32
    %scan3A_8 = arith.constant 40 : i32
    %scan3A_9 = arith.addi %scan3A_7, %scan3A_8 : i32
    %scan3A_10 = arith.constant 1 : i32
    scf.for %scan3A_18 = %scan3A_7 to %scan3A_9 step %scan3A_10  : i32 {
      %mul3A_19 = arith.constant 1 : i32
      %mul3A_20 = arith.muli %scan3A_18, %mul3A_19 : i32
      %add3A_21 = arith.constant 0 : i32
      %add3A_22 = arith.addi %add3A_21, %mul3A_20 : i32
      %broadcast_in_dim3A = arith.constant 0.000000e+00 : f32
      %broadcast_in_dim3A_23 = vector.broadcast %broadcast_in_dim3A : f32 to vector<16xf32>
      %mul3A_24 = arith.constant 16 : i32
      %mul3A_25 = arith.muli %add3A_22, %mul3A_24 : i32
      %swap3A = arith.index_cast %mul3A_25 : i32 to index
      %swap3A_26 = tpu.vector_load %arg6[%swap3A] {strides = array<i32>} : memref<640xf32, #tpu.memory_space<vmem>>, vector<16xf32>,
      %swap3A_27 = vector.shape_cast %swap3A_26 : vector<16xf32> to vector<16xf32>
      %swap3A_28 = vector.shape_cast %broadcast_in_dim3A_23 : vector<16xf32> to vector<16xf32>
      tpu.vector_store %arg6[%swap3A], %swap3A_28 {strides = array<i32>} : memref<640xf32, #tpu.memory_space<vmem>>, vector<16xf32>,
    }
    %scan3A_11 = arith.constant 40 : i32
    "tpu.region"() ({
      %run_scoped3A = tpu.sem_alloc : memref<!tpu.dma_semaphore, #tpu.memory_space<semaphore_mem>>
      %dma_start3A = tpu.memref_slice %arg7[%multiple_of3A] : memref<10240xf32, #tpu.memory_space<vmem_shared>> -> memref<640xf32, #tpu.memory_space<vmem_shared>>
      %dma_start3A_18 = tpu.memref_slice %arg7[%multiple_of3A] : memref<10240xf32, #tpu.memory_space<vmem_shared>> -> memref<640xf32, #tpu.memory_space<vmem_shared>>
      tpu.enqueue_dma source(%arg6 : memref<640xf32, #tpu.memory_space<vmem>>) target(%dma_start3A_18 : memref<640xf32, #tpu.memory_space<vmem_shared>>) target_semaphore(%run_scoped3A : memref<!tpu.dma_semaphore, #tpu.memory_space<semaphore_mem>>)
      %dma_wait3A = tpu.memref_slice %arg7[%multiple_of3A] : memref<10240xf32, #tpu.memory_space<vmem_shared>> -> memref<640xf32, #tpu.memory_space<vmem_shared>>
      %dma_wait3A_19 = tpu.memref_slice %arg7[%multiple_of3A] : memref<10240xf32, #tpu.memory_space<vmem_shared>> -> memref<640xf32, #tpu.memory_space<vmem_shared>>
      tpu.wait_dma2 semaphore(%run_scoped3A : memref<!tpu.dma_semaphore, #tpu.memory_space<semaphore_mem>>) src(%arg6 : memref<640xf32, #tpu.memory_space<vmem>>) dst(%dma_wait3A_19 : memref<640xf32, #tpu.memory_space<vmem_shared>>)
      tpu.yield
    }) : () -> ()
    %barrier3A = arith.constant 0 : index
    tpu.barrier barrier_id(%barrier3A)
    %scan3A_12 = arith.constant 0 : i32
    %scan3A_13 = arith.constant 25 : i32
    %scan3A_14 = arith.addi %scan3A_12, %scan3A_13 : i32
    %scan3A_15 = arith.constant 1 : i32
    scf.for %scan3A_18 = %scan3A_12 to %scan3A_14 step %scan3A_15  : i32 {
      %mul3A_19 = arith.constant 1 : i32
      %mul3A_20 = arith.muli %scan3A_18, %mul3A_19 : i32
      %add3A_21 = arith.constant 0 : i32
      %add3A_22 = arith.addi %add3A_21, %mul3A_20 : i32
      %mul3A_23 = arith.constant 5 : i32
      %mul3A_24 = arith.muli %add3A_22, %mul3A_23 : i32
      %add3A_25 = arith.constant 0 : i32
      %add3A_26 = arith.addi %mul3A_24, %add3A_25 : i32
      %dma_start3A = arith.constant 0 : i32
      %dma_start3A_27 = tpu.memref_slice %arg4[%add3A_26, %dma_start3A] : memref<125x80xi32, #tpu.memory_space<vmem>> -> memref<1x80xi32, #tpu.memory_space<vmem>>
      %dma_start3A_28 = tpu.memref_squeeze %dma_start3A_27 : memref<1x80xi32, #tpu.memory_space<vmem>> -> memref<80xi32, #tpu.memory_space<vmem>>
      %dma_start3A_29 = arith.constant 0 : i32
      %dma_start3A_30 = tpu.memref_slice %arg7[%dma_start3A_29] : memref<10240xf32, #tpu.memory_space<vmem_shared>> -> memref<10240xf32, #tpu.memory_space<vmem_shared>>
      tpu.enqueue_indirect_dma source(%arg5 : memref<80xf32, #tpu.memory_space<vmem>>) target(%dma_start3A_30 : memref<10240xf32, #tpu.memory_space<vmem_shared>>) offsets(%dma_start3A_28 : memref<80xi32, #tpu.memory_space<vmem>>) semaphore(%arg8 : memref<!tpu.dma_semaphore, #tpu.memory_space<semaphore_mem>>) {add = true}
      %add3A_31 = arith.constant 1 : i32
      %add3A_32 = arith.addi %mul3A_24, %add3A_31 : i32
      %dma_start3A_33 = arith.constant 0 : i32
      %dma_start3A_34 = tpu.memref_slice %arg4[%add3A_32, %dma_start3A_33] : memref<125x80xi32, #tpu.memory_space<vmem>> -> memref<1x80xi32, #tpu.memory_space<vmem>>
      %dma_start3A_35 = tpu.memref_squeeze %dma_start3A_34 : memref<1x80xi32, #tpu.memory_space<vmem>> -> memref<80xi32, #tpu.memory_space<vmem>>
      %dma_start3A_36 = arith.constant 0 : i32
      %dma_start3A_37 = tpu.memref_slice %arg7[%dma_start3A_36] : memref<10240xf32, #tpu.memory_space<vmem_shared>> -> memref<10240xf32, #tpu.memory_space<vmem_shared>>
      tpu.enqueue_indirect_dma source(%arg5 : memref<80xf32, #tpu.memory_space<vmem>>) target(%dma_start3A_37 : memref<10240xf32, #tpu.memory_space<vmem_shared>>) offsets(%dma_start3A_35 : memref<80xi32, #tpu.memory_space<vmem>>) semaphore(%arg8 : memref<!tpu.dma_semaphore, #tpu.memory_space<semaphore_mem>>) {add = true}
      %add3A_38 = arith.constant 2 : i32
      %add3A_39 = arith.addi %mul3A_24, %add3A_38 : i32
      %dma_start3A_40 = arith.constant 0 : i32
      %dma_start3A_41 = tpu.memref_slice %arg4[%add3A_39, %dma_start3A_40] : memref<125x80xi32, #tpu.memory_space<vmem>> -> memref<1x80xi32, #tpu.memory_space<vmem>>
      %dma_start3A_42 = tpu.memref_squeeze %dma_start3A_41 : memref<1x80xi32, #tpu.memory_space<vmem>> -> memref<80xi32, #tpu.memory_space<vmem>>
      %dma_start3A_43 = arith.constant 0 : i32
      %dma_start3A_44 = tpu.memref_slice %arg7[%dma_start3A_43] : memref<10240xf32, #tpu.memory_space<vmem_shared>> -> memref<10240xf32, #tpu.memory_space<vmem_shared>>
      tpu.enqueue_indirect_dma source(%arg5 : memref<80xf32, #tpu.memory_space<vmem>>) target(%dma_start3A_44 : memref<10240xf32, #tpu.memory_space<vmem_shared>>) offsets(%dma_start3A_42 : memref<80xi32, #tpu.memory_space<vmem>>) semaphore(%arg8 : memref<!tpu.dma_semaphore, #tpu.memory_space<semaphore_mem>>) {add = true}
      %add3A_45 = arith.constant 3 : i32
      %add3A_46 = arith.addi %mul3A_24, %add3A_45 : i32
      %dma_start3A_47 = arith.constant 0 : i32
      %dma_start3A_48 = tpu.memref_slice %arg4[%add3A_46, %dma_start3A_47] : memref<125x80xi32, #tpu.memory_space<vmem>> -> memref<1x80xi32, #tpu.memory_space<vmem>>
      %dma_start3A_49 = tpu.memref_squeeze %dma_start3A_48 : memref<1x80xi32, #tpu.memory_space<vmem>> -> memref<80xi32, #tpu.memory_space<vmem>>
      %dma_start3A_50 = arith.constant 0 : i32
      %dma_start3A_51 = tpu.memref_slice %arg7[%dma_start3A_50] : memref<10240xf32, #tpu.memory_space<vmem_shared>> -> memref<10240xf32, #tpu.memory_space<vmem_shared>>
      tpu.enqueue_indirect_dma source(%arg5 : memref<80xf32, #tpu.memory_space<vmem>>) target(%dma_start3A_51 : memref<10240xf32, #tpu.memory_space<vmem_shared>>) offsets(%dma_start3A_49 : memref<80xi32, #tpu.memory_space<vmem>>) semaphore(%arg8 : memref<!tpu.dma_semaphore, #tpu.memory_space<semaphore_mem>>) {add = true}
      %add3A_52 = arith.constant 4 : i32
      %add3A_53 = arith.addi %mul3A_24, %add3A_52 : i32
      %dma_start3A_54 = arith.constant 0 : i32
      %dma_start3A_55 = tpu.memref_slice %arg4[%add3A_53, %dma_start3A_54] : memref<125x80xi32, #tpu.memory_space<vmem>> -> memref<1x80xi32, #tpu.memory_space<vmem>>
      %dma_start3A_56 = tpu.memref_squeeze %dma_start3A_55 : memref<1x80xi32, #tpu.memory_space<vmem>> -> memref<80xi32, #tpu.memory_space<vmem>>
      %dma_start3A_57 = arith.constant 0 : i32
      %dma_start3A_58 = tpu.memref_slice %arg7[%dma_start3A_57] : memref<10240xf32, #tpu.memory_space<vmem_shared>> -> memref<10240xf32, #tpu.memory_space<vmem_shared>>
      tpu.enqueue_indirect_dma source(%arg5 : memref<80xf32, #tpu.memory_space<vmem>>) target(%dma_start3A_58 : memref<10240xf32, #tpu.memory_space<vmem_shared>>) offsets(%dma_start3A_56 : memref<80xi32, #tpu.memory_space<vmem>>) semaphore(%arg8 : memref<!tpu.dma_semaphore, #tpu.memory_space<semaphore_mem>>) {add = true}
      %dma_wait3A = arith.constant 0 : i32
      %dma_wait3A_59 = tpu.memref_slice %arg4[%mul3A_24, %dma_wait3A] : memref<125x80xi32, #tpu.memory_space<vmem>> -> memref<1x80xi32, #tpu.memory_space<vmem>>
      %dma_wait3A_60 = tpu.memref_squeeze %dma_wait3A_59 : memref<1x80xi32, #tpu.memory_space<vmem>> -> memref<80xi32, #tpu.memory_space<vmem>>
      %dma_wait3A_61 = arith.constant 0 : i32
      %dma_wait3A_62 = tpu.memref_slice %arg7[%dma_wait3A_61] : memref<10240xf32, #tpu.memory_space<vmem_shared>> -> memref<10240xf32, #tpu.memory_space<vmem_shared>>
      tpu.wait_indirect_dma semaphore(%arg8 : memref<!tpu.dma_semaphore, #tpu.memory_space<semaphore_mem>>) src(%arg5 : memref<80xf32, #tpu.memory_space<vmem>>) dst(%dma_wait3A_62 : memref<10240xf32, #tpu.memory_space<vmem_shared>>)
      %dma_wait3A_63 = arith.constant 0 : i32
      %dma_wait3A_64 = tpu.memref_slice %arg4[%mul3A_24, %dma_wait3A_63] : memref<125x80xi32, #tpu.memory_space<vmem>> -> memref<1x80xi32, #tpu.memory_space<vmem>>
      %dma_wait3A_65 = tpu.memref_squeeze %dma_wait3A_64 : memref<1x80xi32, #tpu.memory_space<vmem>> -> memref<80xi32, #tpu.memory_space<vmem>>
      %dma_wait3A_66 = arith.constant 0 : i32
      %dma_wait3A_67 = tpu.memref_slice %arg7[%dma_wait3A_66] : memref<10240xf32, #tpu.memory_space<vmem_shared>> -> memref<10240xf32, #tpu.memory_space<vmem_shared>>
      tpu.wait_indirect_dma semaphore(%arg8 : memref<!tpu.dma_semaphore, #tpu.memory_space<semaphore_mem>>) src(%arg5 : memref<80xf32, #tpu.memory_space<vmem>>) dst(%dma_wait3A_67 : memref<10240xf32, #tpu.memory_space<vmem_shared>>)
      %dma_wait3A_68 = arith.constant 0 : i32
      %dma_wait3A_69 = tpu.memref_slice %arg4[%mul3A_24, %dma_wait3A_68] : memref<125x80xi32, #tpu.memory_space<vmem>> -> memref<1x80xi32, #tpu.memory_space<vmem>>
      %dma_wait3A_70 = tpu.memref_squeeze %dma_wait3A_69 : memref<1x80xi32, #tpu.memory_space<vmem>> -> memref<80xi32, #tpu.memory_space<vmem>>
      %dma_wait3A_71 = arith.constant 0 : i32
      %dma_wait3A_72 = tpu.memref_slice %arg7[%dma_wait3A_71] : memref<10240xf32, #tpu.memory_space<vmem_shared>> -> memref<10240xf32, #tpu.memory_space<vmem_shared>>
      tpu.wait_indirect_dma semaphore(%arg8 : memref<!tpu.dma_semaphore, #tpu.memory_space<semaphore_mem>>) src(%arg5 : memref<80xf32, #tpu.memory_space<vmem>>) dst(%dma_wait3A_72 : memref<10240xf32, #tpu.memory_space<vmem_shared>>)
      %dma_wait3A_73 = arith.constant 0 : i32
      %dma_wait3A_74 = tpu.memref_slice %arg4[%mul3A_24, %dma_wait3A_73] : memref<125x80xi32, #tpu.memory_space<vmem>> -> memref<1x80xi32, #tpu.memory_space<vmem>>
      %dma_wait3A_75 = tpu.memref_squeeze %dma_wait3A_74 : memref<1x80xi32, #tpu.memory_space<vmem>> -> memref<80xi32, #tpu.memory_space<vmem>>
      %dma_wait3A_76 = arith.constant 0 : i32
      %dma_wait3A_77 = tpu.memref_slice %arg7[%dma_wait3A_76] : memref<10240xf32, #tpu.memory_space<vmem_shared>> -> memref<10240xf32, #tpu.memory_space<vmem_shared>>
      tpu.wait_indirect_dma semaphore(%arg8 : memref<!tpu.dma_semaphore, #tpu.memory_space<semaphore_mem>>) src(%arg5 : memref<80xf32, #tpu.memory_space<vmem>>) dst(%dma_wait3A_77 : memref<10240xf32, #tpu.memory_space<vmem_shared>>)
      %dma_wait3A_78 = arith.constant 0 : i32
      %dma_wait3A_79 = tpu.memref_slice %arg4[%mul3A_24, %dma_wait3A_78] : memref<125x80xi32, #tpu.memory_space<vmem>> -> memref<1x80xi32, #tpu.memory_space<vmem>>
      %dma_wait3A_80 = tpu.memref_squeeze %dma_wait3A_79 : memref<1x80xi32, #tpu.memory_space<vmem>> -> memref<80xi32, #tpu.memory_space<vmem>>
      %dma_wait3A_81 = arith.constant 0 : i32
      %dma_wait3A_82 = tpu.memref_slice %arg7[%dma_wait3A_81] : memref<10240xf32, #tpu.memory_space<vmem_shared>> -> memref<10240xf32, #tpu.memory_space<vmem_shared>>
      tpu.wait_indirect_dma semaphore(%arg8 : memref<!tpu.dma_semaphore, #tpu.memory_space<semaphore_mem>>) src(%arg5 : memref<80xf32, #tpu.memory_space<vmem>>) dst(%dma_wait3A_82 : memref<10240xf32, #tpu.memory_space<vmem_shared>>)
    }
    %scan3A_16 = arith.constant 25 : i32
    %barrier3A_17 = arith.constant 0 : index
    tpu.barrier barrier_id(%barrier3A_17)
    "tpu.region"() ({
      %run_scoped3A = tpu.sem_alloc : memref<!tpu.dma_semaphore, #tpu.memory_space<semaphore_mem>>
      %dma_start3A = arith.constant 0 : i32
      %dma_start3A_18 = tpu.memref_slice %arg3[%arg0, %dma_start3A] : memref<2x10240xf32, #tpu.memory_space<hbm>> -> memref<1x10240xf32, #tpu.memory_space<hbm>>
      %dma_start3A_19 = tpu.memref_squeeze %dma_start3A_18 : memref<1x10240xf32, #tpu.memory_space<hbm>> -> memref<10240xf32, #tpu.memory_space<hbm>>
      %dma_start3A_20 = tpu.memref_slice %dma_start3A_19[%multiple_of3A] : memref<10240xf32, #tpu.memory_space<hbm>> -> memref<640xf32, #tpu.memory_space<hbm>>
      %dma_start3A_21 = tpu.memref_slice %arg7[%multiple_of3A] : memref<10240xf32, #tpu.memory_space<vmem_shared>> -> memref<640xf32, #tpu.memory_space<vmem_shared>>
      tpu.enqueue_dma source(%dma_start3A_21 : memref<640xf32, #tpu.memory_space<vmem_shared>>) target(%dma_start3A_20 : memref<640xf32, #tpu.memory_space<hbm>>) target_semaphore(%run_scoped3A : memref<!tpu.dma_semaphore, #tpu.memory_space<semaphore_mem>>)
      %dma_wait3A = arith.constant 0 : i32
      %dma_wait3A_22 = tpu.memref_slice %arg3[%arg0, %dma_wait3A] : memref<2x10240xf32, #tpu.memory_space<hbm>> -> memref<1x10240xf32, #tpu.memory_space<hbm>>
      %dma_wait3A_23 = tpu.memref_squeeze %dma_wait3A_22 : memref<1x10240xf32, #tpu.memory_space<hbm>> -> memref<10240xf32, #tpu.memory_space<hbm>>
      %dma_wait3A_24 = tpu.memref_slice %dma_wait3A_23[%multiple_of3A] : memref<10240xf32, #tpu.memory_space<hbm>> -> memref<640xf32, #tpu.memory_space<hbm>>
      %dma_wait3A_25 = tpu.memref_slice %arg7[%multiple_of3A] : memref<10240xf32, #tpu.memory_space<vmem_shared>> -> memref<640xf32, #tpu.memory_space<vmem_shared>>
      tpu.wait_dma2 semaphore(%run_scoped3A : memref<!tpu.dma_semaphore, #tpu.memory_space<semaphore_mem>>) src(%dma_wait3A_25 : memref<640xf32, #tpu.memory_space<vmem_shared>>) dst(%dma_wait3A_24 : memref<640xf32, #tpu.memory_space<hbm>>)
      tpu.yield
    }) : () -> ()
    return
  }
}

#map = affine_map<(d0, d1) -> (0, 0)>
#map1 = affine_map<(d0, d1) -> (0, 0, 0)>
module attributes {stable_mosaic.version = 14 : i64} {
  func.func @_conv_kernel(%arg0: i32, %arg1: i32, %arg2: memref<10000x128xf32, #tpu.memory_space<hbm>>, %arg3: memref<32x10000xi32, #tpu.memory_space<hbm>>, %arg4: memref<32x125x80xi32, #tpu.memory_space<hbm>>, %arg5: memref<2x10240x128xf32, #tpu.memory_space<hbm>>, %arg6: memref<10000xi32, #tpu.memory_space<vmem>>, %arg7: memref<125x80xi32, #tpu.memory_space<vmem>>, %arg8: memref<80x128xf32, #tpu.memory_space<vmem>>, %arg9: memref<80x128xf32, #tpu.memory_space<vmem>>, %arg10: memref<10240x128xf32, #tpu.memory_space<vmem_shared>>, %arg11: memref<!tpu.dma_semaphore, #tpu.memory_space<semaphore_mem>>, %arg12: memref<!tpu.dma_semaphore, #tpu.memory_space<semaphore_mem>>) attributes {dimension_semantics = [#tpu.dimension_semantics<core_parallel>, #tpu.dimension_semantics<subcore_parallel>], iteration_bounds = array<i64: 2, 16>, scalar_prefetch = 0 : i64, scratch_operands = 7 : i64, tpu.core_type = #tpu.core_type<sc_vector_subcore>, window_params = [{transform_indices = #map}, {transform_indices = #map}, {transform_indices = #map1}, {transform_indices = #map1}]} {
    %mul3A = arith.constant 16 : i32
    %mul3A_0 = arith.muli %arg0, %mul3A : i32
    %add3A = arith.addi %mul3A_0, %arg1 : i32
    %mul3A_1 = arith.constant 640 : i32
    %mul3A_2 = arith.muli %arg1, %mul3A_1 : i32
    %multiple_of3A = tpu.assume_multiple %mul3A_2, 8 : i32
    "tpu.region"() ({
      %run_scoped3A_28 = tpu.sem_alloc : memref<!tpu.dma_semaphore, #tpu.memory_space<semaphore_mem>>
      %dma_start3A_29 = arith.constant 0 : i32
      %dma_start3A_30 = tpu.memref_slice %arg3[%add3A, %dma_start3A_29] : memref<32x10000xi32, #tpu.memory_space<hbm>> -> memref<1x10000xi32, #tpu.memory_space<hbm>>
      %dma_start3A_31 = tpu.memref_squeeze %dma_start3A_30 : memref<1x10000xi32, #tpu.memory_space<hbm>> -> memref<10000xi32, #tpu.memory_space<hbm>>
      %dma_start3A_32 = arith.constant 0 : i32
      %dma_start3A_33 = tpu.memref_slice %arg3[%add3A, %dma_start3A_32] : memref<32x10000xi32, #tpu.memory_space<hbm>> -> memref<1x10000xi32, #tpu.memory_space<hbm>>
      %dma_start3A_34 = tpu.memref_squeeze %dma_start3A_33 : memref<1x10000xi32, #tpu.memory_space<hbm>> -> memref<10000xi32, #tpu.memory_space<hbm>>
      tpu.enqueue_dma source(%dma_start3A_34 : memref<10000xi32, #tpu.memory_space<hbm>>) target(%arg6 : memref<10000xi32, #tpu.memory_space<vmem>>) target_semaphore(%run_scoped3A_28 : memref<!tpu.dma_semaphore, #tpu.memory_space<semaphore_mem>>)
      %dma_wait3A_35 = arith.constant 0 : i32
      %dma_wait3A_36 = tpu.memref_slice %arg3[%add3A, %dma_wait3A_35] : memref<32x10000xi32, #tpu.memory_space<hbm>> -> memref<1x10000xi32, #tpu.memory_space<hbm>>
      %dma_wait3A_37 = tpu.memref_squeeze %dma_wait3A_36 : memref<1x10000xi32, #tpu.memory_space<hbm>> -> memref<10000xi32, #tpu.memory_space<hbm>>
      %dma_wait3A_38 = arith.constant 0 : i32
      %dma_wait3A_39 = tpu.memref_slice %arg3[%add3A, %dma_wait3A_38] : memref<32x10000xi32, #tpu.memory_space<hbm>> -> memref<1x10000xi32, #tpu.memory_space<hbm>>
      %dma_wait3A_40 = tpu.memref_squeeze %dma_wait3A_39 : memref<1x10000xi32, #tpu.memory_space<hbm>> -> memref<10000xi32, #tpu.memory_space<hbm>>
      tpu.wait_dma2 semaphore(%run_scoped3A_28 : memref<!tpu.dma_semaphore, #tpu.memory_space<semaphore_mem>>) src(%dma_wait3A_40 : memref<10000xi32, #tpu.memory_space<hbm>>) dst(%arg6 : memref<10000xi32, #tpu.memory_space<vmem>>)
      tpu.yield
    }) : () -> ()
    "tpu.region"() ({
      %run_scoped3A_28 = tpu.sem_alloc : memref<!tpu.dma_semaphore, #tpu.memory_space<semaphore_mem>>
      %dma_start3A_29 = arith.constant 0 : i32
      %dma_start3A_30 = arith.constant 0 : i32
      %dma_start3A_31 = tpu.memref_slice %arg4[%add3A, %dma_start3A_29, %dma_start3A_30] : memref<32x125x80xi32, #tpu.memory_space<hbm>> -> memref<1x125x80xi32, #tpu.memory_space<hbm>>
      %dma_start3A_32 = tpu.memref_squeeze %dma_start3A_31 : memref<1x125x80xi32, #tpu.memory_space<hbm>> -> memref<125x80xi32, #tpu.memory_space<hbm>>
      %dma_start3A_33 = arith.constant 0 : i32
      %dma_start3A_34 = arith.constant 0 : i32
      %dma_start3A_35 = tpu.memref_slice %arg4[%add3A, %dma_start3A_33, %dma_start3A_34] : memref<32x125x80xi32, #tpu.memory_space<hbm>> -> memref<1x125x80xi32, #tpu.memory_space<hbm>>
      %dma_start3A_36 = tpu.memref_squeeze %dma_start3A_35 : memref<1x125x80xi32, #tpu.memory_space<hbm>> -> memref<125x80xi32, #tpu.memory_space<hbm>>
      tpu.enqueue_dma source(%dma_start3A_36 : memref<125x80xi32, #tpu.memory_space<hbm>>) target(%arg7 : memref<125x80xi32, #tpu.memory_space<vmem>>) target_semaphore(%run_scoped3A_28 : memref<!tpu.dma_semaphore, #tpu.memory_space<semaphore_mem>>)
      %dma_wait3A_37 = arith.constant 0 : i32
      %dma_wait3A_38 = arith.constant 0 : i32
      %dma_wait3A_39 = tpu.memref_slice %arg4[%add3A, %dma_wait3A_37, %dma_wait3A_38] : memref<32x125x80xi32, #tpu.memory_space<hbm>> -> memref<1x125x80xi32, #tpu.memory_space<hbm>>
      %dma_wait3A_40 = tpu.memref_squeeze %dma_wait3A_39 : memref<1x125x80xi32, #tpu.memory_space<hbm>> -> memref<125x80xi32, #tpu.memory_space<hbm>>
      %dma_wait3A_41 = arith.constant 0 : i32
      %dma_wait3A_42 = arith.constant 0 : i32
      %dma_wait3A_43 = tpu.memref_slice %arg4[%add3A, %dma_wait3A_41, %dma_wait3A_42] : memref<32x125x80xi32, #tpu.memory_space<hbm>> -> memref<1x125x80xi32, #tpu.memory_space<hbm>>
      %dma_wait3A_44 = tpu.memref_squeeze %dma_wait3A_43 : memref<1x125x80xi32, #tpu.memory_space<hbm>> -> memref<125x80xi32, #tpu.memory_space<hbm>>
      tpu.wait_dma2 semaphore(%run_scoped3A_28 : memref<!tpu.dma_semaphore, #tpu.memory_space<semaphore_mem>>) src(%dma_wait3A_44 : memref<125x80xi32, #tpu.memory_space<hbm>>) dst(%arg7 : memref<125x80xi32, #tpu.memory_space<vmem>>)
      tpu.yield
    }) : () -> ()
    %scan3A = arith.constant 0 : i32
    %scan3A_3 = arith.constant 80 : i32
    %scan3A_4 = arith.addi %scan3A, %scan3A_3 : i32
    %scan3A_5 = arith.constant 1 : i32
    scf.for %scan3A_28 = %scan3A to %scan3A_4 step %scan3A_5  : i32 {
      %mul3A_29 = arith.constant 1 : i32
      %mul3A_30 = arith.muli %scan3A_28, %mul3A_29 : i32
      %add3A_31 = arith.constant 0 : i32
      %add3A_32 = arith.addi %add3A_31, %mul3A_30 : i32
      %broadcast_in_dim3A = arith.constant 0.000000e+00 : f32
      %broadcast_in_dim3A_33 = vector.broadcast %broadcast_in_dim3A : f32 to vector<16xf32>
      %swap3A = arith.index_cast %add3A_32 : i32 to index
      %swap3A_34 = arith.constant 0 : index
      %swap3A_35 = tpu.vector_load %arg8[%swap3A, %swap3A_34] {strides = array<i32>} : memref<80x128xf32, #tpu.memory_space<vmem>>, vector<1x16xf32>,
      %swap3A_36 = vector.shape_cast %swap3A_35 : vector<1x16xf32> to vector<16xf32>
      %swap3A_37 = vector.shape_cast %broadcast_in_dim3A_33 : vector<16xf32> to vector<1x16xf32>
      tpu.vector_store %arg8[%swap3A, %swap3A_34], %swap3A_37 {strides = array<i32>} : memref<80x128xf32, #tpu.memory_space<vmem>>, vector<1x16xf32>,
      %broadcast_in_dim3A_38 = arith.constant 0.000000e+00 : f32
      %broadcast_in_dim3A_39 = vector.broadcast %broadcast_in_dim3A_38 : f32 to vector<16xf32>
      %swap3A_40 = arith.index_cast %add3A_32 : i32 to index
      %swap3A_41 = arith.constant 16 : index
      %swap3A_42 = tpu.vector_load %arg8[%swap3A_40, %swap3A_41] {strides = array<i32>} : memref<80x128xf32, #tpu.memory_space<vmem>>, vector<1x16xf32>,
      %swap3A_43 = vector.shape_cast %swap3A_42 : vector<1x16xf32> to vector<16xf32>
      %swap3A_44 = vector.shape_cast %broadcast_in_dim3A_39 : vector<16xf32> to vector<1x16xf32>
      tpu.vector_store %arg8[%swap3A_40, %swap3A_41], %swap3A_44 {strides = array<i32>} : memref<80x128xf32, #tpu.memory_space<vmem>>, vector<1x16xf32>,
      %broadcast_in_dim3A_45 = arith.constant 0.000000e+00 : f32
      %broadcast_in_dim3A_46 = vector.broadcast %broadcast_in_dim3A_45 : f32 to vector<16xf32>
      %swap3A_47 = arith.index_cast %add3A_32 : i32 to index
      %swap3A_48 = arith.constant 32 : index
      %swap3A_49 = tpu.vector_load %arg8[%swap3A_47, %swap3A_48] {strides = array<i32>} : memref<80x128xf32, #tpu.memory_space<vmem>>, vector<1x16xf32>,
      %swap3A_50 = vector.shape_cast %swap3A_49 : vector<1x16xf32> to vector<16xf32>
      %swap3A_51 = vector.shape_cast %broadcast_in_dim3A_46 : vector<16xf32> to vector<1x16xf32>
      tpu.vector_store %arg8[%swap3A_47, %swap3A_48], %swap3A_51 {strides = array<i32>} : memref<80x128xf32, #tpu.memory_space<vmem>>, vector<1x16xf32>,
      %broadcast_in_dim3A_52 = arith.constant 0.000000e+00 : f32
      %broadcast_in_dim3A_53 = vector.broadcast %broadcast_in_dim3A_52 : f32 to vector<16xf32>
      %swap3A_54 = arith.index_cast %add3A_32 : i32 to index
      %swap3A_55 = arith.constant 48 : index
      %swap3A_56 = tpu.vector_load %arg8[%swap3A_54, %swap3A_55] {strides = array<i32>} : memref<80x128xf32, #tpu.memory_space<vmem>>, vector<1x16xf32>,
      %swap3A_57 = vector.shape_cast %swap3A_56 : vector<1x16xf32> to vector<16xf32>
      %swap3A_58 = vector.shape_cast %broadcast_in_dim3A_53 : vector<16xf32> to vector<1x16xf32>
      tpu.vector_store %arg8[%swap3A_54, %swap3A_55], %swap3A_58 {strides = array<i32>} : memref<80x128xf32, #tpu.memory_space<vmem>>, vector<1x16xf32>,
      %broadcast_in_dim3A_59 = arith.constant 0.000000e+00 : f32
      %broadcast_in_dim3A_60 = vector.broadcast %broadcast_in_dim3A_59 : f32 to vector<16xf32>
      %swap3A_61 = arith.index_cast %add3A_32 : i32 to index
      %swap3A_62 = arith.constant 64 : index
      %swap3A_63 = tpu.vector_load %arg8[%swap3A_61, %swap3A_62] {strides = array<i32>} : memref<80x128xf32, #tpu.memory_space<vmem>>, vector<1x16xf32>,
      %swap3A_64 = vector.shape_cast %swap3A_63 : vector<1x16xf32> to vector<16xf32>
      %swap3A_65 = vector.shape_cast %broadcast_in_dim3A_60 : vector<16xf32> to vector<1x16xf32>
      tpu.vector_store %arg8[%swap3A_61, %swap3A_62], %swap3A_65 {strides = array<i32>} : memref<80x128xf32, #tpu.memory_space<vmem>>, vector<1x16xf32>,
      %broadcast_in_dim3A_66 = arith.constant 0.000000e+00 : f32
      %broadcast_in_dim3A_67 = vector.broadcast %broadcast_in_dim3A_66 : f32 to vector<16xf32>
      %swap3A_68 = arith.index_cast %add3A_32 : i32 to index
      %swap3A_69 = arith.constant 80 : index
      %swap3A_70 = tpu.vector_load %arg8[%swap3A_68, %swap3A_69] {strides = array<i32>} : memref<80x128xf32, #tpu.memory_space<vmem>>, vector<1x16xf32>,
      %swap3A_71 = vector.shape_cast %swap3A_70 : vector<1x16xf32> to vector<16xf32>
      %swap3A_72 = vector.shape_cast %broadcast_in_dim3A_67 : vector<16xf32> to vector<1x16xf32>
      tpu.vector_store %arg8[%swap3A_68, %swap3A_69], %swap3A_72 {strides = array<i32>} : memref<80x128xf32, #tpu.memory_space<vmem>>, vector<1x16xf32>,
      %broadcast_in_dim3A_73 = arith.constant 0.000000e+00 : f32
      %broadcast_in_dim3A_74 = vector.broadcast %broadcast_in_dim3A_73 : f32 to vector<16xf32>
      %swap3A_75 = arith.index_cast %add3A_32 : i32 to index
      %swap3A_76 = arith.constant 96 : index
      %swap3A_77 = tpu.vector_load %arg8[%swap3A_75, %swap3A_76] {strides = array<i32>} : memref<80x128xf32, #tpu.memory_space<vmem>>, vector<1x16xf32>,
      %swap3A_78 = vector.shape_cast %swap3A_77 : vector<1x16xf32> to vector<16xf32>
      %swap3A_79 = vector.shape_cast %broadcast_in_dim3A_74 : vector<16xf32> to vector<1x16xf32>
      tpu.vector_store %arg8[%swap3A_75, %swap3A_76], %swap3A_79 {strides = array<i32>} : memref<80x128xf32, #tpu.memory_space<vmem>>, vector<1x16xf32>,
      %broadcast_in_dim3A_80 = arith.constant 0.000000e+00 : f32
      %broadcast_in_dim3A_81 = vector.broadcast %broadcast_in_dim3A_80 : f32 to vector<16xf32>
      %swap3A_82 = arith.index_cast %add3A_32 : i32 to index
      %swap3A_83 = arith.constant 112 : index
      %swap3A_84 = tpu.vector_load %arg8[%swap3A_82, %swap3A_83] {strides = array<i32>} : memref<80x128xf32, #tpu.memory_space<vmem>>, vector<1x16xf32>,
      %swap3A_85 = vector.shape_cast %swap3A_84 : vector<1x16xf32> to vector<16xf32>
      %swap3A_86 = vector.shape_cast %broadcast_in_dim3A_81 : vector<16xf32> to vector<1x16xf32>
      tpu.vector_store %arg8[%swap3A_82, %swap3A_83], %swap3A_86 {strides = array<i32>} : memref<80x128xf32, #tpu.memory_space<vmem>>, vector<1x16xf32>,
    }
    %scan3A_6 = arith.constant 80 : i32
    %scan3A_7 = arith.constant 0 : i32
    %scan3A_8 = arith.constant 8 : i32
    %scan3A_9 = arith.addi %scan3A_7, %scan3A_8 : i32
    %scan3A_10 = arith.constant 1 : i32
    scf.for %scan3A_28 = %scan3A_7 to %scan3A_9 step %scan3A_10  : i32 {
      %mul3A_29 = arith.constant 1 : i32
      %mul3A_30 = arith.muli %scan3A_28, %mul3A_29 : i32
      %add3A_31 = arith.constant 0 : i32
      %add3A_32 = arith.addi %add3A_31, %mul3A_30 : i32
      %mul3A_33 = arith.constant 80 : i32
      %mul3A_34 = arith.muli %add3A_32, %mul3A_33 : i32
      %add3A_35 = arith.addi %multiple_of3A, %mul3A_34 : i32
      %multiple_of3A_36 = tpu.assume_multiple %add3A_35, 8 : i32
      "tpu.region"() ({
        %run_scoped3A_37 = tpu.sem_alloc : memref<!tpu.dma_semaphore, #tpu.memory_space<semaphore_mem>>
        %dma_start3A_38 = arith.constant 0 : i32
        %dma_start3A_39 = tpu.memref_slice %arg10[%multiple_of3A_36, %dma_start3A_38] : memref<10240x128xf32, #tpu.memory_space<vmem_shared>> -> memref<80x128xf32, #tpu.memory_space<vmem_shared>>
        %dma_start3A_40 = arith.constant 0 : i32
        %dma_start3A_41 = tpu.memref_slice %arg10[%multiple_of3A_36, %dma_start3A_40] : memref<10240x128xf32, #tpu.memory_space<vmem_shared>> -> memref<80x128xf32, #tpu.memory_space<vmem_shared>>
        tpu.enqueue_dma source(%arg8 : memref<80x128xf32, #tpu.memory_space<vmem>>) target(%dma_start3A_41 : memref<80x128xf32, #tpu.memory_space<vmem_shared>>) target_semaphore(%run_scoped3A_37 : memref<!tpu.dma_semaphore, #tpu.memory_space<semaphore_mem>>)
        %dma_wait3A_42 = arith.constant 0 : i32
        %dma_wait3A_43 = tpu.memref_slice %arg10[%multiple_of3A_36, %dma_wait3A_42] : memref<10240x128xf32, #tpu.memory_space<vmem_shared>> -> memref<80x128xf32, #tpu.memory_space<vmem_shared>>
        %dma_wait3A_44 = arith.constant 0 : i32
        %dma_wait3A_45 = tpu.memref_slice %arg10[%multiple_of3A_36, %dma_wait3A_44] : memref<10240x128xf32, #tpu.memory_space<vmem_shared>> -> memref<80x128xf32, #tpu.memory_space<vmem_shared>>
        tpu.wait_dma2 semaphore(%run_scoped3A_37 : memref<!tpu.dma_semaphore, #tpu.memory_space<semaphore_mem>>) src(%arg8 : memref<80x128xf32, #tpu.memory_space<vmem>>) dst(%dma_wait3A_45 : memref<80x128xf32, #tpu.memory_space<vmem_shared>>)
        tpu.yield
      }) : () -> ()
    }
    %scan3A_11 = arith.constant 8 : i32
    %barrier3A = arith.constant 0 : index
    tpu.barrier barrier_id(%barrier3A)
    %multiple_of3A_12 = arith.constant 0 : i32
    %multiple_of3A_13 = tpu.assume_multiple %multiple_of3A_12, 8 : i32
    %dma_start3A = tpu.memref_slice %arg6[%multiple_of3A_13] : memref<10000xi32, #tpu.memory_space<vmem>> -> memref<80xi32, #tpu.memory_space<vmem>>
    %dma_start3A_14 = arith.constant 0 : i32
    %dma_start3A_15 = arith.constant 0 : i32
    %dma_start3A_16 = tpu.memref_slice %arg2[%dma_start3A_14, %dma_start3A_15] : memref<10000x128xf32, #tpu.memory_space<hbm>> -> memref<10000x128xf32, #tpu.memory_space<hbm>>
    tpu.enqueue_indirect_dma source(%dma_start3A_16 : memref<10000x128xf32, #tpu.memory_space<hbm>>) target(%arg8 : memref<80x128xf32, #tpu.memory_space<vmem>>) offsets(%dma_start3A : memref<80xi32, #tpu.memory_space<vmem>>) semaphore(%arg11 : memref<!tpu.dma_semaphore, #tpu.memory_space<semaphore_mem>>)
    %scan3A_17 = arith.constant 0 : i32
    %scan3A_18 = arith.constant 62 : i32
    %scan3A_19 = arith.addi %scan3A_17, %scan3A_18 : i32
    %scan3A_20 = arith.constant 1 : i32
    scf.for %scan3A_28 = %scan3A_17 to %scan3A_19 step %scan3A_20  : i32 {
      %mul3A_29 = arith.constant 1 : i32
      %mul3A_30 = arith.muli %scan3A_28, %mul3A_29 : i32
      %add3A_31 = arith.constant 0 : i32
      %add3A_32 = arith.addi %add3A_31, %mul3A_30 : i32
      %mul3A_33 = arith.constant 2 : i32
      %mul3A_34 = arith.muli %add3A_32, %mul3A_33 : i32
      %mul3A_35 = arith.constant 80 : i32
      %mul3A_36 = arith.muli %mul3A_34, %mul3A_35 : i32
      %multiple_of3A_37 = tpu.assume_multiple %mul3A_36, 8 : i32
      %dma_wait3A_38 = tpu.memref_slice %arg6[%multiple_of3A_37] : memref<10000xi32, #tpu.memory_space<vmem>> -> memref<80xi32, #tpu.memory_space<vmem>>
      %dma_wait3A_39 = arith.constant 0 : i32
      %dma_wait3A_40 = arith.constant 0 : i32
      %dma_wait3A_41 = tpu.memref_slice %arg2[%dma_wait3A_39, %dma_wait3A_40] : memref<10000x128xf32, #tpu.memory_space<hbm>> -> memref<10000x128xf32, #tpu.memory_space<hbm>>
      tpu.wait_indirect_dma semaphore(%arg11 : memref<!tpu.dma_semaphore, #tpu.memory_space<semaphore_mem>>) src(%dma_wait3A_41 : memref<10000x128xf32, #tpu.memory_space<hbm>>) dst(%arg8 : memref<80x128xf32, #tpu.memory_space<vmem>>)
      %add3A_42 = arith.constant 1 : i32
      %add3A_43 = arith.addi %mul3A_34, %add3A_42 : i32
      %mul3A_44 = arith.constant 80 : i32
      %mul3A_45 = arith.muli %add3A_43, %mul3A_44 : i32
      %multiple_of3A_46 = tpu.assume_multiple %mul3A_45, 8 : i32
      %dma_start3A_47 = tpu.memref_slice %arg6[%multiple_of3A_46] : memref<10000xi32, #tpu.memory_space<vmem>> -> memref<80xi32, #tpu.memory_space<vmem>>
      %dma_start3A_48 = arith.constant 0 : i32
      %dma_start3A_49 = arith.constant 0 : i32
      %dma_start3A_50 = tpu.memref_slice %arg2[%dma_start3A_48, %dma_start3A_49] : memref<10000x128xf32, #tpu.memory_space<hbm>> -> memref<10000x128xf32, #tpu.memory_space<hbm>>
      tpu.enqueue_indirect_dma source(%dma_start3A_50 : memref<10000x128xf32, #tpu.memory_space<hbm>>) target(%arg9 : memref<80x128xf32, #tpu.memory_space<vmem>>) offsets(%dma_start3A_47 : memref<80xi32, #tpu.memory_space<vmem>>) semaphore(%arg12 : memref<!tpu.dma_semaphore, #tpu.memory_space<semaphore_mem>>)
      "tpu.region"() ({
        %run_scoped3A_71 = tpu.sem_alloc : memref<!tpu.dma_semaphore, #tpu.memory_space<semaphore_mem>>
        %dma_start3A_72 = arith.constant 0 : i32
        %dma_start3A_73 = tpu.memref_slice %arg7[%mul3A_34, %dma_start3A_72] : memref<125x80xi32, #tpu.memory_space<vmem>> -> memref<1x80xi32, #tpu.memory_space<vmem>>
        %dma_start3A_74 = tpu.memref_squeeze %dma_start3A_73 : memref<1x80xi32, #tpu.memory_space<vmem>> -> memref<80xi32, #tpu.memory_space<vmem>>
        %dma_start3A_75 = arith.constant 0 : i32
        %dma_start3A_76 = arith.constant 0 : i32
        %dma_start3A_77 = tpu.memref_slice %arg10[%dma_start3A_75, %dma_start3A_76] : memref<10240x128xf32, #tpu.memory_space<vmem_shared>> -> memref<10240x128xf32, #tpu.memory_space<vmem_shared>>
        tpu.enqueue_indirect_dma source(%arg8 : memref<80x128xf32, #tpu.memory_space<vmem>>) target(%dma_start3A_77 : memref<10240x128xf32, #tpu.memory_space<vmem_shared>>) offsets(%dma_start3A_74 : memref<80xi32, #tpu.memory_space<vmem>>) semaphore(%run_scoped3A_71 : memref<!tpu.dma_semaphore, #tpu.memory_space<semaphore_mem>>) {add = true}
        %dma_wait3A_78 = arith.constant 0 : i32
        %dma_wait3A_79 = tpu.memref_slice %arg7[%mul3A_34, %dma_wait3A_78] : memref<125x80xi32, #tpu.memory_space<vmem>> -> memref<1x80xi32, #tpu.memory_space<vmem>>
        %dma_wait3A_80 = tpu.memref_squeeze %dma_wait3A_79 : memref<1x80xi32, #tpu.memory_space<vmem>> -> memref<80xi32, #tpu.memory_space<vmem>>
        %dma_wait3A_81 = arith.constant 0 : i32
        %dma_wait3A_82 = arith.constant 0 : i32
        %dma_wait3A_83 = tpu.memref_slice %arg10[%dma_wait3A_81, %dma_wait3A_82] : memref<10240x128xf32, #tpu.memory_space<vmem_shared>> -> memref<10240x128xf32, #tpu.memory_space<vmem_shared>>
        tpu.wait_indirect_dma semaphore(%run_scoped3A_71 : memref<!tpu.dma_semaphore, #tpu.memory_space<semaphore_mem>>) src(%arg8 : memref<80x128xf32, #tpu.memory_space<vmem>>) dst(%dma_wait3A_83 : memref<10240x128xf32, #tpu.memory_space<vmem_shared>>)
        tpu.yield
      }) : () -> ()
      %add3A_51 = arith.constant 1 : i32
      %add3A_52 = arith.addi %mul3A_34, %add3A_51 : i32
      %mul3A_53 = arith.constant 80 : i32
      %mul3A_54 = arith.muli %add3A_52, %mul3A_53 : i32
      %multiple_of3A_55 = tpu.assume_multiple %mul3A_54, 8 : i32
      %dma_wait3A_56 = tpu.memref_slice %arg6[%multiple_of3A_55] : memref<10000xi32, #tpu.memory_space<vmem>> -> memref<80xi32, #tpu.memory_space<vmem>>
      %dma_wait3A_57 = arith.constant 0 : i32
      %dma_wait3A_58 = arith.constant 0 : i32
      %dma_wait3A_59 = tpu.memref_slice %arg2[%dma_wait3A_57, %dma_wait3A_58] : memref<10000x128xf32, #tpu.memory_space<hbm>> -> memref<10000x128xf32, #tpu.memory_space<hbm>>
      tpu.wait_indirect_dma semaphore(%arg12 : memref<!tpu.dma_semaphore, #tpu.memory_space<semaphore_mem>>) src(%dma_wait3A_59 : memref<10000x128xf32, #tpu.memory_space<hbm>>) dst(%arg9 : memref<80x128xf32, #tpu.memory_space<vmem>>)
      %add3A_60 = arith.constant 2 : i32
      %add3A_61 = arith.addi %mul3A_34, %add3A_60 : i32
      %mul3A_62 = arith.constant 80 : i32
      %mul3A_63 = arith.muli %add3A_61, %mul3A_62 : i32
      %multiple_of3A_64 = tpu.assume_multiple %mul3A_63, 8 : i32
      %dma_start3A_65 = tpu.memref_slice %arg6[%multiple_of3A_64] : memref<10000xi32, #tpu.memory_space<vmem>> -> memref<80xi32, #tpu.memory_space<vmem>>
      %dma_start3A_66 = arith.constant 0 : i32
      %dma_start3A_67 = arith.constant 0 : i32
      %dma_start3A_68 = tpu.memref_slice %arg2[%dma_start3A_66, %dma_start3A_67] : memref<10000x128xf32, #tpu.memory_space<hbm>> -> memref<10000x128xf32, #tpu.memory_space<hbm>>
      tpu.enqueue_indirect_dma source(%dma_start3A_68 : memref<10000x128xf32, #tpu.memory_space<hbm>>) target(%arg8 : memref<80x128xf32, #tpu.memory_space<vmem>>) offsets(%dma_start3A_65 : memref<80xi32, #tpu.memory_space<vmem>>) semaphore(%arg11 : memref<!tpu.dma_semaphore, #tpu.memory_space<semaphore_mem>>)
      %add3A_69 = arith.constant 1 : i32
      %add3A_70 = arith.addi %mul3A_34, %add3A_69 : i32
      "tpu.region"() ({
        %run_scoped3A_71 = tpu.sem_alloc : memref<!tpu.dma_semaphore, #tpu.memory_space<semaphore_mem>>
        %dma_start3A_72 = arith.constant 0 : i32
        %dma_start3A_73 = tpu.memref_slice %arg7[%add3A_70, %dma_start3A_72] : memref<125x80xi32, #tpu.memory_space<vmem>> -> memref<1x80xi32, #tpu.memory_space<vmem>>
        %dma_start3A_74 = tpu.memref_squeeze %dma_start3A_73 : memref<1x80xi32, #tpu.memory_space<vmem>> -> memref<80xi32, #tpu.memory_space<vmem>>
        %dma_start3A_75 = arith.constant 0 : i32
        %dma_start3A_76 = arith.constant 0 : i32
        %dma_start3A_77 = tpu.memref_slice %arg10[%dma_start3A_75, %dma_start3A_76] : memref<10240x128xf32, #tpu.memory_space<vmem_shared>> -> memref<10240x128xf32, #tpu.memory_space<vmem_shared>>
        tpu.enqueue_indirect_dma source(%arg9 : memref<80x128xf32, #tpu.memory_space<vmem>>) target(%dma_start3A_77 : memref<10240x128xf32, #tpu.memory_space<vmem_shared>>) offsets(%dma_start3A_74 : memref<80xi32, #tpu.memory_space<vmem>>) semaphore(%run_scoped3A_71 : memref<!tpu.dma_semaphore, #tpu.memory_space<semaphore_mem>>) {add = true}
        %dma_wait3A_78 = arith.constant 0 : i32
        %dma_wait3A_79 = tpu.memref_slice %arg7[%add3A_70, %dma_wait3A_78] : memref<125x80xi32, #tpu.memory_space<vmem>> -> memref<1x80xi32, #tpu.memory_space<vmem>>
        %dma_wait3A_80 = tpu.memref_squeeze %dma_wait3A_79 : memref<1x80xi32, #tpu.memory_space<vmem>> -> memref<80xi32, #tpu.memory_space<vmem>>
        %dma_wait3A_81 = arith.constant 0 : i32
        %dma_wait3A_82 = arith.constant 0 : i32
        %dma_wait3A_83 = tpu.memref_slice %arg10[%dma_wait3A_81, %dma_wait3A_82] : memref<10240x128xf32, #tpu.memory_space<vmem_shared>> -> memref<10240x128xf32, #tpu.memory_space<vmem_shared>>
        tpu.wait_indirect_dma semaphore(%run_scoped3A_71 : memref<!tpu.dma_semaphore, #tpu.memory_space<semaphore_mem>>) src(%arg9 : memref<80x128xf32, #tpu.memory_space<vmem>>) dst(%dma_wait3A_83 : memref<10240x128xf32, #tpu.memory_space<vmem_shared>>)
        tpu.yield
      }) : () -> ()
    }
    %scan3A_21 = arith.constant 62 : i32
    %multiple_of3A_22 = arith.constant 9920 : i32
    %multiple_of3A_23 = tpu.assume_multiple %multiple_of3A_22, 8 : i32
    %dma_wait3A = tpu.memref_slice %arg6[%multiple_of3A_23] : memref<10000xi32, #tpu.memory_space<vmem>> -> memref<80xi32, #tpu.memory_space<vmem>>
    %dma_wait3A_24 = arith.constant 0 : i32
    %dma_wait3A_25 = arith.constant 0 : i32
    %dma_wait3A_26 = tpu.memref_slice %arg2[%dma_wait3A_24, %dma_wait3A_25] : memref<10000x128xf32, #tpu.memory_space<hbm>> -> memref<10000x128xf32, #tpu.memory_space<hbm>>
    tpu.wait_indirect_dma semaphore(%arg11 : memref<!tpu.dma_semaphore, #tpu.memory_space<semaphore_mem>>) src(%dma_wait3A_26 : memref<10000x128xf32, #tpu.memory_space<hbm>>) dst(%arg8 : memref<80x128xf32, #tpu.memory_space<vmem>>)
    %run_scoped3A = arith.constant 124 : i32
    "tpu.region"() ({
      %run_scoped3A_28 = tpu.sem_alloc : memref<!tpu.dma_semaphore, #tpu.memory_space<semaphore_mem>>
      %dma_start3A_29 = arith.constant 0 : i32
      %dma_start3A_30 = tpu.memref_slice %arg7[%run_scoped3A, %dma_start3A_29] : memref<125x80xi32, #tpu.memory_space<vmem>> -> memref<1x80xi32, #tpu.memory_space<vmem>>
      %dma_start3A_31 = tpu.memref_squeeze %dma_start3A_30 : memref<1x80xi32, #tpu.memory_space<vmem>> -> memref<80xi32, #tpu.memory_space<vmem>>
      %dma_start3A_32 = arith.constant 0 : i32
      %dma_start3A_33 = arith.constant 0 : i32
      %dma_start3A_34 = tpu.memref_slice %arg10[%dma_start3A_32, %dma_start3A_33] : memref<10240x128xf32, #tpu.memory_space<vmem_shared>> -> memref<10240x128xf32, #tpu.memory_space<vmem_shared>>
      tpu.enqueue_indirect_dma source(%arg8 : memref<80x128xf32, #tpu.memory_space<vmem>>) target(%dma_start3A_34 : memref<10240x128xf32, #tpu.memory_space<vmem_shared>>) offsets(%dma_start3A_31 : memref<80xi32, #tpu.memory_space<vmem>>) semaphore(%run_scoped3A_28 : memref<!tpu.dma_semaphore, #tpu.memory_space<semaphore_mem>>) {add = true}
      %dma_wait3A_35 = arith.constant 0 : i32
      %dma_wait3A_36 = tpu.memref_slice %arg7[%run_scoped3A, %dma_wait3A_35] : memref<125x80xi32, #tpu.memory_space<vmem>> -> memref<1x80xi32, #tpu.memory_space<vmem>>
      %dma_wait3A_37 = tpu.memref_squeeze %dma_wait3A_36 : memref<1x80xi32, #tpu.memory_space<vmem>> -> memref<80xi32, #tpu.memory_space<vmem>>
      %dma_wait3A_38 = arith.constant 0 : i32
      %dma_wait3A_39 = arith.constant 0 : i32
      %dma_wait3A_40 = tpu.memref_slice %arg10[%dma_wait3A_38, %dma_wait3A_39] : memref<10240x128xf32, #tpu.memory_space<vmem_shared>> -> memref<10240x128xf32, #tpu.memory_space<vmem_shared>>
      tpu.wait_indirect_dma semaphore(%run_scoped3A_28 : memref<!tpu.dma_semaphore, #tpu.memory_space<semaphore_mem>>) src(%arg8 : memref<80x128xf32, #tpu.memory_space<vmem>>) dst(%dma_wait3A_40 : memref<10240x128xf32, #tpu.memory_space<vmem_shared>>)
      tpu.yield
    }) : () -> ()
    %barrier3A_27 = arith.constant 0 : index
    tpu.barrier barrier_id(%barrier3A_27)
    "tpu.region"() ({
      %run_scoped3A_28 = tpu.sem_alloc : memref<!tpu.dma_semaphore, #tpu.memory_space<semaphore_mem>>
      %dma_start3A_29 = arith.constant 0 : i32
      %dma_start3A_30 = arith.constant 0 : i32
      %dma_start3A_31 = tpu.memref_slice %arg5[%arg0, %dma_start3A_29, %dma_start3A_30] : memref<2x10240x128xf32, #tpu.memory_space<hbm>> -> memref<1x10240x128xf32, #tpu.memory_space<hbm>>
      %dma_start3A_32 = tpu.memref_squeeze %dma_start3A_31 : memref<1x10240x128xf32, #tpu.memory_space<hbm>> -> memref<10240x128xf32, #tpu.memory_space<hbm>>
      %dma_start3A_33 = arith.constant 0 : i32
      %dma_start3A_34 = tpu.memref_slice %dma_start3A_32[%multiple_of3A, %dma_start3A_33] : memref<10240x128xf32, #tpu.memory_space<hbm>> -> memref<640x128xf32, #tpu.memory_space<hbm>>
      %dma_start3A_35 = arith.constant 0 : i32
      %dma_start3A_36 = tpu.memref_slice %arg10[%multiple_of3A, %dma_start3A_35] : memref<10240x128xf32, #tpu.memory_space<vmem_shared>> -> memref<640x128xf32, #tpu.memory_space<vmem_shared>>
      tpu.enqueue_dma source(%dma_start3A_36 : memref<640x128xf32, #tpu.memory_space<vmem_shared>>) target(%dma_start3A_34 : memref<640x128xf32, #tpu.memory_space<hbm>>) target_semaphore(%run_scoped3A_28 : memref<!tpu.dma_semaphore, #tpu.memory_space<semaphore_mem>>)
      %dma_wait3A_37 = arith.constant 0 : i32
      %dma_wait3A_38 = arith.constant 0 : i32
      %dma_wait3A_39 = tpu.memref_slice %arg5[%arg0, %dma_wait3A_37, %dma_wait3A_38] : memref<2x10240x128xf32, #tpu.memory_space<hbm>> -> memref<1x10240x128xf32, #tpu.memory_space<hbm>>
      %dma_wait3A_40 = tpu.memref_squeeze %dma_wait3A_39 : memref<1x10240x128xf32, #tpu.memory_space<hbm>> -> memref<10240x128xf32, #tpu.memory_space<hbm>>
      %dma_wait3A_41 = arith.constant 0 : i32
      %dma_wait3A_42 = tpu.memref_slice %dma_wait3A_40[%multiple_of3A, %dma_wait3A_41] : memref<10240x128xf32, #tpu.memory_space<hbm>> -> memref<640x128xf32, #tpu.memory_space<hbm>>
      %dma_wait3A_43 = arith.constant 0 : i32
      %dma_wait3A_44 = tpu.memref_slice %arg10[%multiple_of3A, %dma_wait3A_43] : memref<10240x128xf32, #tpu.memory_space<vmem_shared>> -> memref<640x128xf32, #tpu.memory_space<vmem_shared>>
      tpu.wait_dma2 semaphore(%run_scoped3A_28 : memref<!tpu.dma_semaphore, #tpu.memory_space<semaphore_mem>>) src(%dma_wait3A_44 : memref<640x128xf32, #tpu.memory_space<vmem_shared>>) dst(%dma_wait3A_42 : memref<640x128xf32, #tpu.memory_space<hbm>>)
      tpu.yield
    }) : () -> ()
    return
  }
}

#map = affine_map<(d0, d1) -> (0, 0)>
#map1 = affine_map<(d0, d1) -> (0, 0, 0)>
module attributes {stable_mosaic.version = 14 : i64} {
  func.func @_conv_kernel(%arg0: i32, %arg1: i32, %arg2: memref<10000x128xf32, #tpu.memory_space<hbm>>, %arg3: memref<32x10000xi32, #tpu.memory_space<hbm>>, %arg4: memref<32x125x80xi32, #tpu.memory_space<hbm>>, %arg5: memref<2x10240x128xf32, #tpu.memory_space<hbm>>, %arg6: memref<10000xi32, #tpu.memory_space<vmem>>, %arg7: memref<125x80xi32, #tpu.memory_space<vmem>>, %arg8: memref<80x128xf32, #tpu.memory_space<vmem>>, %arg9: memref<80x128xf32, #tpu.memory_space<vmem>>, %arg10: memref<10240x128xf32, #tpu.memory_space<vmem_shared>>, %arg11: memref<!tpu.dma_semaphore, #tpu.memory_space<semaphore_mem>>, %arg12: memref<!tpu.dma_semaphore, #tpu.memory_space<semaphore_mem>>) attributes {dimension_semantics = [#tpu.dimension_semantics<core_parallel>, #tpu.dimension_semantics<subcore_parallel>], iteration_bounds = array<i64: 2, 16>, scalar_prefetch = 0 : i64, scratch_operands = 7 : i64, tpu.core_type = #tpu.core_type<sc_vector_subcore>, window_params = [{transform_indices = #map}, {transform_indices = #map}, {transform_indices = #map1}, {transform_indices = #map1}]} {
    %mul3A = arith.constant 16 : i32
    %mul3A_0 = arith.muli %arg0, %mul3A : i32
    %add3A = arith.addi %mul3A_0, %arg1 : i32
    %mul3A_1 = arith.constant 640 : i32
    %mul3A_2 = arith.muli %arg1, %mul3A_1 : i32
    %multiple_of3A = tpu.assume_multiple %mul3A_2, 8 : i32
    "tpu.region"() ({
      %run_scoped3A_28 = tpu.sem_alloc : memref<!tpu.dma_semaphore, #tpu.memory_space<semaphore_mem>>
      %dma_start3A_29 = arith.constant 0 : i32
      %dma_start3A_30 = tpu.memref_slice %arg3[%add3A, %dma_start3A_29] : memref<32x10000xi32, #tpu.memory_space<hbm>> -> memref<1x10000xi32, #tpu.memory_space<hbm>>
      %dma_start3A_31 = tpu.memref_squeeze %dma_start3A_30 : memref<1x10000xi32, #tpu.memory_space<hbm>> -> memref<10000xi32, #tpu.memory_space<hbm>>
      %dma_start3A_32 = arith.constant 0 : i32
      %dma_start3A_33 = tpu.memref_slice %arg3[%add3A, %dma_start3A_32] : memref<32x10000xi32, #tpu.memory_space<hbm>> -> memref<1x10000xi32, #tpu.memory_space<hbm>>
      %dma_start3A_34 = tpu.memref_squeeze %dma_start3A_33 : memref<1x10000xi32, #tpu.memory_space<hbm>> -> memref<10000xi32, #tpu.memory_space<hbm>>
      tpu.enqueue_dma source(%dma_start3A_34 : memref<10000xi32, #tpu.memory_space<hbm>>) target(%arg6 : memref<10000xi32, #tpu.memory_space<vmem>>) target_semaphore(%run_scoped3A_28 : memref<!tpu.dma_semaphore, #tpu.memory_space<semaphore_mem>>)
      %dma_wait3A_35 = arith.constant 0 : i32
      %dma_wait3A_36 = tpu.memref_slice %arg3[%add3A, %dma_wait3A_35] : memref<32x10000xi32, #tpu.memory_space<hbm>> -> memref<1x10000xi32, #tpu.memory_space<hbm>>
      %dma_wait3A_37 = tpu.memref_squeeze %dma_wait3A_36 : memref<1x10000xi32, #tpu.memory_space<hbm>> -> memref<10000xi32, #tpu.memory_space<hbm>>
      %dma_wait3A_38 = arith.constant 0 : i32
      %dma_wait3A_39 = tpu.memref_slice %arg3[%add3A, %dma_wait3A_38] : memref<32x10000xi32, #tpu.memory_space<hbm>> -> memref<1x10000xi32, #tpu.memory_space<hbm>>
      %dma_wait3A_40 = tpu.memref_squeeze %dma_wait3A_39 : memref<1x10000xi32, #tpu.memory_space<hbm>> -> memref<10000xi32, #tpu.memory_space<hbm>>
      tpu.wait_dma2 semaphore(%run_scoped3A_28 : memref<!tpu.dma_semaphore, #tpu.memory_space<semaphore_mem>>) src(%dma_wait3A_40 : memref<10000xi32, #tpu.memory_space<hbm>>) dst(%arg6 : memref<10000xi32, #tpu.memory_space<vmem>>)
      tpu.yield
    }) : () -> ()
    "tpu.region"() ({
      %run_scoped3A_28 = tpu.sem_alloc : memref<!tpu.dma_semaphore, #tpu.memory_space<semaphore_mem>>
      %dma_start3A_29 = arith.constant 0 : i32
      %dma_start3A_30 = arith.constant 0 : i32
      %dma_start3A_31 = tpu.memref_slice %arg4[%add3A, %dma_start3A_29, %dma_start3A_30] : memref<32x125x80xi32, #tpu.memory_space<hbm>> -> memref<1x125x80xi32, #tpu.memory_space<hbm>>
      %dma_start3A_32 = tpu.memref_squeeze %dma_start3A_31 : memref<1x125x80xi32, #tpu.memory_space<hbm>> -> memref<125x80xi32, #tpu.memory_space<hbm>>
      %dma_start3A_33 = arith.constant 0 : i32
      %dma_start3A_34 = arith.constant 0 : i32
      %dma_start3A_35 = tpu.memref_slice %arg4[%add3A, %dma_start3A_33, %dma_start3A_34] : memref<32x125x80xi32, #tpu.memory_space<hbm>> -> memref<1x125x80xi32, #tpu.memory_space<hbm>>
      %dma_start3A_36 = tpu.memref_squeeze %dma_start3A_35 : memref<1x125x80xi32, #tpu.memory_space<hbm>> -> memref<125x80xi32, #tpu.memory_space<hbm>>
      tpu.enqueue_dma source(%dma_start3A_36 : memref<125x80xi32, #tpu.memory_space<hbm>>) target(%arg7 : memref<125x80xi32, #tpu.memory_space<vmem>>) target_semaphore(%run_scoped3A_28 : memref<!tpu.dma_semaphore, #tpu.memory_space<semaphore_mem>>)
      %dma_wait3A_37 = arith.constant 0 : i32
      %dma_wait3A_38 = arith.constant 0 : i32
      %dma_wait3A_39 = tpu.memref_slice %arg4[%add3A, %dma_wait3A_37, %dma_wait3A_38] : memref<32x125x80xi32, #tpu.memory_space<hbm>> -> memref<1x125x80xi32, #tpu.memory_space<hbm>>
      %dma_wait3A_40 = tpu.memref_squeeze %dma_wait3A_39 : memref<1x125x80xi32, #tpu.memory_space<hbm>> -> memref<125x80xi32, #tpu.memory_space<hbm>>
      %dma_wait3A_41 = arith.constant 0 : i32
      %dma_wait3A_42 = arith.constant 0 : i32
      %dma_wait3A_43 = tpu.memref_slice %arg4[%add3A, %dma_wait3A_41, %dma_wait3A_42] : memref<32x125x80xi32, #tpu.memory_space<hbm>> -> memref<1x125x80xi32, #tpu.memory_space<hbm>>
      %dma_wait3A_44 = tpu.memref_squeeze %dma_wait3A_43 : memref<1x125x80xi32, #tpu.memory_space<hbm>> -> memref<125x80xi32, #tpu.memory_space<hbm>>
      tpu.wait_dma2 semaphore(%run_scoped3A_28 : memref<!tpu.dma_semaphore, #tpu.memory_space<semaphore_mem>>) src(%dma_wait3A_44 : memref<125x80xi32, #tpu.memory_space<hbm>>) dst(%arg7 : memref<125x80xi32, #tpu.memory_space<vmem>>)
      tpu.yield
    }) : () -> ()
    %scan3A = arith.constant 0 : i32
    %scan3A_3 = arith.constant 80 : i32
    %scan3A_4 = arith.addi %scan3A, %scan3A_3 : i32
    %scan3A_5 = arith.constant 1 : i32
    scf.for %scan3A_28 = %scan3A to %scan3A_4 step %scan3A_5  : i32 {
      %mul3A_29 = arith.constant 1 : i32
      %mul3A_30 = arith.muli %scan3A_28, %mul3A_29 : i32
      %add3A_31 = arith.constant 0 : i32
      %add3A_32 = arith.addi %add3A_31, %mul3A_30 : i32
      %broadcast_in_dim3A = arith.constant 0.000000e+00 : f32
      %broadcast_in_dim3A_33 = vector.broadcast %broadcast_in_dim3A : f32 to vector<16xf32>
      %swap3A = arith.index_cast %add3A_32 : i32 to index
      %swap3A_34 = arith.constant 0 : index
      %swap3A_35 = tpu.vector_load %arg8[%swap3A, %swap3A_34] {strides = array<i32>} : memref<80x128xf32, #tpu.memory_space<vmem>>, vector<1x16xf32>,
      %swap3A_36 = vector.shape_cast %swap3A_35 : vector<1x16xf32> to vector<16xf32>
      %swap3A_37 = vector.shape_cast %broadcast_in_dim3A_33 : vector<16xf32> to vector<1x16xf32>
      tpu.vector_store %arg8[%swap3A, %swap3A_34], %swap3A_37 {strides = array<i32>} : memref<80x128xf32, #tpu.memory_space<vmem>>, vector<1x16xf32>,
      %broadcast_in_dim3A_38 = arith.constant 0.000000e+00 : f32
      %broadcast_in_dim3A_39 = vector.broadcast %broadcast_in_dim3A_38 : f32 to vector<16xf32>
      %swap3A_40 = arith.index_cast %add3A_32 : i32 to index
      %swap3A_41 = arith.constant 16 : index
      %swap3A_42 = tpu.vector_load %arg8[%swap3A_40, %swap3A_41] {strides = array<i32>} : memref<80x128xf32, #tpu.memory_space<vmem>>, vector<1x16xf32>,
      %swap3A_43 = vector.shape_cast %swap3A_42 : vector<1x16xf32> to vector<16xf32>
      %swap3A_44 = vector.shape_cast %broadcast_in_dim3A_39 : vector<16xf32> to vector<1x16xf32>
      tpu.vector_store %arg8[%swap3A_40, %swap3A_41], %swap3A_44 {strides = array<i32>} : memref<80x128xf32, #tpu.memory_space<vmem>>, vector<1x16xf32>,
      %broadcast_in_dim3A_45 = arith.constant 0.000000e+00 : f32
      %broadcast_in_dim3A_46 = vector.broadcast %broadcast_in_dim3A_45 : f32 to vector<16xf32>
      %swap3A_47 = arith.index_cast %add3A_32 : i32 to index
      %swap3A_48 = arith.constant 32 : index
      %swap3A_49 = tpu.vector_load %arg8[%swap3A_47, %swap3A_48] {strides = array<i32>} : memref<80x128xf32, #tpu.memory_space<vmem>>, vector<1x16xf32>,
      %swap3A_50 = vector.shape_cast %swap3A_49 : vector<1x16xf32> to vector<16xf32>
      %swap3A_51 = vector.shape_cast %broadcast_in_dim3A_46 : vector<16xf32> to vector<1x16xf32>
      tpu.vector_store %arg8[%swap3A_47, %swap3A_48], %swap3A_51 {strides = array<i32>} : memref<80x128xf32, #tpu.memory_space<vmem>>, vector<1x16xf32>,
      %broadcast_in_dim3A_52 = arith.constant 0.000000e+00 : f32
      %broadcast_in_dim3A_53 = vector.broadcast %broadcast_in_dim3A_52 : f32 to vector<16xf32>
      %swap3A_54 = arith.index_cast %add3A_32 : i32 to index
      %swap3A_55 = arith.constant 48 : index
      %swap3A_56 = tpu.vector_load %arg8[%swap3A_54, %swap3A_55] {strides = array<i32>} : memref<80x128xf32, #tpu.memory_space<vmem>>, vector<1x16xf32>,
      %swap3A_57 = vector.shape_cast %swap3A_56 : vector<1x16xf32> to vector<16xf32>
      %swap3A_58 = vector.shape_cast %broadcast_in_dim3A_53 : vector<16xf32> to vector<1x16xf32>
      tpu.vector_store %arg8[%swap3A_54, %swap3A_55], %swap3A_58 {strides = array<i32>} : memref<80x128xf32, #tpu.memory_space<vmem>>, vector<1x16xf32>,
      %broadcast_in_dim3A_59 = arith.constant 0.000000e+00 : f32
      %broadcast_in_dim3A_60 = vector.broadcast %broadcast_in_dim3A_59 : f32 to vector<16xf32>
      %swap3A_61 = arith.index_cast %add3A_32 : i32 to index
      %swap3A_62 = arith.constant 64 : index
      %swap3A_63 = tpu.vector_load %arg8[%swap3A_61, %swap3A_62] {strides = array<i32>} : memref<80x128xf32, #tpu.memory_space<vmem>>, vector<1x16xf32>,
      %swap3A_64 = vector.shape_cast %swap3A_63 : vector<1x16xf32> to vector<16xf32>
      %swap3A_65 = vector.shape_cast %broadcast_in_dim3A_60 : vector<16xf32> to vector<1x16xf32>
      tpu.vector_store %arg8[%swap3A_61, %swap3A_62], %swap3A_65 {strides = array<i32>} : memref<80x128xf32, #tpu.memory_space<vmem>>, vector<1x16xf32>,
      %broadcast_in_dim3A_66 = arith.constant 0.000000e+00 : f32
      %broadcast_in_dim3A_67 = vector.broadcast %broadcast_in_dim3A_66 : f32 to vector<16xf32>
      %swap3A_68 = arith.index_cast %add3A_32 : i32 to index
      %swap3A_69 = arith.constant 80 : index
      %swap3A_70 = tpu.vector_load %arg8[%swap3A_68, %swap3A_69] {strides = array<i32>} : memref<80x128xf32, #tpu.memory_space<vmem>>, vector<1x16xf32>,
      %swap3A_71 = vector.shape_cast %swap3A_70 : vector<1x16xf32> to vector<16xf32>
      %swap3A_72 = vector.shape_cast %broadcast_in_dim3A_67 : vector<16xf32> to vector<1x16xf32>
      tpu.vector_store %arg8[%swap3A_68, %swap3A_69], %swap3A_72 {strides = array<i32>} : memref<80x128xf32, #tpu.memory_space<vmem>>, vector<1x16xf32>,
      %broadcast_in_dim3A_73 = arith.constant 0.000000e+00 : f32
      %broadcast_in_dim3A_74 = vector.broadcast %broadcast_in_dim3A_73 : f32 to vector<16xf32>
      %swap3A_75 = arith.index_cast %add3A_32 : i32 to index
      %swap3A_76 = arith.constant 96 : index
      %swap3A_77 = tpu.vector_load %arg8[%swap3A_75, %swap3A_76] {strides = array<i32>} : memref<80x128xf32, #tpu.memory_space<vmem>>, vector<1x16xf32>,
      %swap3A_78 = vector.shape_cast %swap3A_77 : vector<1x16xf32> to vector<16xf32>
      %swap3A_79 = vector.shape_cast %broadcast_in_dim3A_74 : vector<16xf32> to vector<1x16xf32>
      tpu.vector_store %arg8[%swap3A_75, %swap3A_76], %swap3A_79 {strides = array<i32>} : memref<80x128xf32, #tpu.memory_space<vmem>>, vector<1x16xf32>,
      %broadcast_in_dim3A_80 = arith.constant 0.000000e+00 : f32
      %broadcast_in_dim3A_81 = vector.broadcast %broadcast_in_dim3A_80 : f32 to vector<16xf32>
      %swap3A_82 = arith.index_cast %add3A_32 : i32 to index
      %swap3A_83 = arith.constant 112 : index
      %swap3A_84 = tpu.vector_load %arg8[%swap3A_82, %swap3A_83] {strides = array<i32>} : memref<80x128xf32, #tpu.memory_space<vmem>>, vector<1x16xf32>,
      %swap3A_85 = vector.shape_cast %swap3A_84 : vector<1x16xf32> to vector<16xf32>
      %swap3A_86 = vector.shape_cast %broadcast_in_dim3A_81 : vector<16xf32> to vector<1x16xf32>
      tpu.vector_store %arg8[%swap3A_82, %swap3A_83], %swap3A_86 {strides = array<i32>} : memref<80x128xf32, #tpu.memory_space<vmem>>, vector<1x16xf32>,
    }
    %scan3A_6 = arith.constant 80 : i32
    %scan3A_7 = arith.constant 0 : i32
    %scan3A_8 = arith.constant 8 : i32
    %scan3A_9 = arith.addi %scan3A_7, %scan3A_8 : i32
    %scan3A_10 = arith.constant 1 : i32
    scf.for %scan3A_28 = %scan3A_7 to %scan3A_9 step %scan3A_10  : i32 {
      %mul3A_29 = arith.constant 1 : i32
      %mul3A_30 = arith.muli %scan3A_28, %mul3A_29 : i32
      %add3A_31 = arith.constant 0 : i32
      %add3A_32 = arith.addi %add3A_31, %mul3A_30 : i32
      %mul3A_33 = arith.constant 80 : i32
      %mul3A_34 = arith.muli %add3A_32, %mul3A_33 : i32
      %add3A_35 = arith.addi %multiple_of3A, %mul3A_34 : i32
      %multiple_of3A_36 = tpu.assume_multiple %add3A_35, 8 : i32
      "tpu.region"() ({
        %run_scoped3A_37 = tpu.sem_alloc : memref<!tpu.dma_semaphore, #tpu.memory_space<semaphore_mem>>
        %dma_start3A_38 = arith.constant 0 : i32
        %dma_start3A_39 = tpu.memref_slice %arg10[%multiple_of3A_36, %dma_start3A_38] : memref<10240x128xf32, #tpu.memory_space<vmem_shared>> -> memref<80x128xf32, #tpu.memory_space<vmem_shared>>
        %dma_start3A_40 = arith.constant 0 : i32
        %dma_start3A_41 = tpu.memref_slice %arg10[%multiple_of3A_36, %dma_start3A_40] : memref<10240x128xf32, #tpu.memory_space<vmem_shared>> -> memref<80x128xf32, #tpu.memory_space<vmem_shared>>
        tpu.enqueue_dma source(%arg8 : memref<80x128xf32, #tpu.memory_space<vmem>>) target(%dma_start3A_41 : memref<80x128xf32, #tpu.memory_space<vmem_shared>>) target_semaphore(%run_scoped3A_37 : memref<!tpu.dma_semaphore, #tpu.memory_space<semaphore_mem>>)
        %dma_wait3A_42 = arith.constant 0 : i32
        %dma_wait3A_43 = tpu.memref_slice %arg10[%multiple_of3A_36, %dma_wait3A_42] : memref<10240x128xf32, #tpu.memory_space<vmem_shared>> -> memref<80x128xf32, #tpu.memory_space<vmem_shared>>
        %dma_wait3A_44 = arith.constant 0 : i32
        %dma_wait3A_45 = tpu.memref_slice %arg10[%multiple_of3A_36, %dma_wait3A_44] : memref<10240x128xf32, #tpu.memory_space<vmem_shared>> -> memref<80x128xf32, #tpu.memory_space<vmem_shared>>
        tpu.wait_dma2 semaphore(%run_scoped3A_37 : memref<!tpu.dma_semaphore, #tpu.memory_space<semaphore_mem>>) src(%arg8 : memref<80x128xf32, #tpu.memory_space<vmem>>) dst(%dma_wait3A_45 : memref<80x128xf32, #tpu.memory_space<vmem_shared>>)
        tpu.yield
      }) : () -> ()
    }
    %scan3A_11 = arith.constant 8 : i32
    %barrier3A = arith.constant 0 : index
    tpu.barrier barrier_id(%barrier3A)
    %multiple_of3A_12 = arith.constant 0 : i32
    %multiple_of3A_13 = tpu.assume_multiple %multiple_of3A_12, 8 : i32
    %dma_start3A = tpu.memref_slice %arg6[%multiple_of3A_13] : memref<10000xi32, #tpu.memory_space<vmem>> -> memref<80xi32, #tpu.memory_space<vmem>>
    %dma_start3A_14 = arith.constant 0 : i32
    %dma_start3A_15 = arith.constant 0 : i32
    %dma_start3A_16 = tpu.memref_slice %arg2[%dma_start3A_14, %dma_start3A_15] : memref<10000x128xf32, #tpu.memory_space<hbm>> -> memref<10000x128xf32, #tpu.memory_space<hbm>>
    tpu.enqueue_indirect_dma source(%dma_start3A_16 : memref<10000x128xf32, #tpu.memory_space<hbm>>) target(%arg8 : memref<80x128xf32, #tpu.memory_space<vmem>>) offsets(%dma_start3A : memref<80xi32, #tpu.memory_space<vmem>>) semaphore(%arg11 : memref<!tpu.dma_semaphore, #tpu.memory_space<semaphore_mem>>)
    %scan3A_17 = arith.constant 0 : i32
    %scan3A_18 = arith.constant 62 : i32
    %scan3A_19 = arith.addi %scan3A_17, %scan3A_18 : i32
    %scan3A_20 = arith.constant 1 : i32
    scf.for %scan3A_28 = %scan3A_17 to %scan3A_19 step %scan3A_20  : i32 {
      %mul3A_29 = arith.constant 1 : i32
      %mul3A_30 = arith.muli %scan3A_28, %mul3A_29 : i32
      %add3A_31 = arith.constant 0 : i32
      %add3A_32 = arith.addi %add3A_31, %mul3A_30 : i32
      %mul3A_33 = arith.constant 2 : i32
      %mul3A_34 = arith.muli %add3A_32, %mul3A_33 : i32
      %mul3A_35 = arith.constant 80 : i32
      %mul3A_36 = arith.muli %mul3A_34, %mul3A_35 : i32
      %multiple_of3A_37 = tpu.assume_multiple %mul3A_36, 8 : i32
      %dma_wait3A_38 = tpu.memref_slice %arg6[%multiple_of3A_37] : memref<10000xi32, #tpu.memory_space<vmem>> -> memref<80xi32, #tpu.memory_space<vmem>>
      %dma_wait3A_39 = arith.constant 0 : i32
      %dma_wait3A_40 = arith.constant 0 : i32
      %dma_wait3A_41 = tpu.memref_slice %arg2[%dma_wait3A_39, %dma_wait3A_40] : memref<10000x128xf32, #tpu.memory_space<hbm>> -> memref<10000x128xf32, #tpu.memory_space<hbm>>
      tpu.wait_indirect_dma semaphore(%arg11 : memref<!tpu.dma_semaphore, #tpu.memory_space<semaphore_mem>>) src(%dma_wait3A_41 : memref<10000x128xf32, #tpu.memory_space<hbm>>) dst(%arg8 : memref<80x128xf32, #tpu.memory_space<vmem>>)
      %add3A_42 = arith.constant 1 : i32
      %add3A_43 = arith.addi %mul3A_34, %add3A_42 : i32
      %mul3A_44 = arith.constant 80 : i32
      %mul3A_45 = arith.muli %add3A_43, %mul3A_44 : i32
      %multiple_of3A_46 = tpu.assume_multiple %mul3A_45, 8 : i32
      %dma_start3A_47 = tpu.memref_slice %arg6[%multiple_of3A_46] : memref<10000xi32, #tpu.memory_space<vmem>> -> memref<80xi32, #tpu.memory_space<vmem>>
      %dma_start3A_48 = arith.constant 0 : i32
      %dma_start3A_49 = arith.constant 0 : i32
      %dma_start3A_50 = tpu.memref_slice %arg2[%dma_start3A_48, %dma_start3A_49] : memref<10000x128xf32, #tpu.memory_space<hbm>> -> memref<10000x128xf32, #tpu.memory_space<hbm>>
      tpu.enqueue_indirect_dma source(%dma_start3A_50 : memref<10000x128xf32, #tpu.memory_space<hbm>>) target(%arg9 : memref<80x128xf32, #tpu.memory_space<vmem>>) offsets(%dma_start3A_47 : memref<80xi32, #tpu.memory_space<vmem>>) semaphore(%arg12 : memref<!tpu.dma_semaphore, #tpu.memory_space<semaphore_mem>>)
      "tpu.region"() ({
        %run_scoped3A_71 = tpu.sem_alloc : memref<!tpu.dma_semaphore, #tpu.memory_space<semaphore_mem>>
        %dma_start3A_72 = arith.constant 0 : i32
        %dma_start3A_73 = tpu.memref_slice %arg7[%mul3A_34, %dma_start3A_72] : memref<125x80xi32, #tpu.memory_space<vmem>> -> memref<1x80xi32, #tpu.memory_space<vmem>>
        %dma_start3A_74 = tpu.memref_squeeze %dma_start3A_73 : memref<1x80xi32, #tpu.memory_space<vmem>> -> memref<80xi32, #tpu.memory_space<vmem>>
        %dma_start3A_75 = arith.constant 0 : i32
        %dma_start3A_76 = arith.constant 0 : i32
        %dma_start3A_77 = tpu.memref_slice %arg10[%dma_start3A_75, %dma_start3A_76] : memref<10240x128xf32, #tpu.memory_space<vmem_shared>> -> memref<10240x128xf32, #tpu.memory_space<vmem_shared>>
        tpu.enqueue_indirect_dma source(%arg8 : memref<80x128xf32, #tpu.memory_space<vmem>>) target(%dma_start3A_77 : memref<10240x128xf32, #tpu.memory_space<vmem_shared>>) offsets(%dma_start3A_74 : memref<80xi32, #tpu.memory_space<vmem>>) semaphore(%run_scoped3A_71 : memref<!tpu.dma_semaphore, #tpu.memory_space<semaphore_mem>>) {add = true}
        %dma_wait3A_78 = arith.constant 0 : i32
        %dma_wait3A_79 = tpu.memref_slice %arg7[%mul3A_34, %dma_wait3A_78] : memref<125x80xi32, #tpu.memory_space<vmem>> -> memref<1x80xi32, #tpu.memory_space<vmem>>
        %dma_wait3A_80 = tpu.memref_squeeze %dma_wait3A_79 : memref<1x80xi32, #tpu.memory_space<vmem>> -> memref<80xi32, #tpu.memory_space<vmem>>
        %dma_wait3A_81 = arith.constant 0 : i32
        %dma_wait3A_82 = arith.constant 0 : i32
        %dma_wait3A_83 = tpu.memref_slice %arg10[%dma_wait3A_81, %dma_wait3A_82] : memref<10240x128xf32, #tpu.memory_space<vmem_shared>> -> memref<10240x128xf32, #tpu.memory_space<vmem_shared>>
        tpu.wait_indirect_dma semaphore(%run_scoped3A_71 : memref<!tpu.dma_semaphore, #tpu.memory_space<semaphore_mem>>) src(%arg8 : memref<80x128xf32, #tpu.memory_space<vmem>>) dst(%dma_wait3A_83 : memref<10240x128xf32, #tpu.memory_space<vmem_shared>>)
        tpu.yield
      }) : () -> ()
      %add3A_51 = arith.constant 1 : i32
      %add3A_52 = arith.addi %mul3A_34, %add3A_51 : i32
      %mul3A_53 = arith.constant 80 : i32
      %mul3A_54 = arith.muli %add3A_52, %mul3A_53 : i32
      %multiple_of3A_55 = tpu.assume_multiple %mul3A_54, 8 : i32
      %dma_wait3A_56 = tpu.memref_slice %arg6[%multiple_of3A_55] : memref<10000xi32, #tpu.memory_space<vmem>> -> memref<80xi32, #tpu.memory_space<vmem>>
      %dma_wait3A_57 = arith.constant 0 : i32
      %dma_wait3A_58 = arith.constant 0 : i32
      %dma_wait3A_59 = tpu.memref_slice %arg2[%dma_wait3A_57, %dma_wait3A_58] : memref<10000x128xf32, #tpu.memory_space<hbm>> -> memref<10000x128xf32, #tpu.memory_space<hbm>>
      tpu.wait_indirect_dma semaphore(%arg12 : memref<!tpu.dma_semaphore, #tpu.memory_space<semaphore_mem>>) src(%dma_wait3A_59 : memref<10000x128xf32, #tpu.memory_space<hbm>>) dst(%arg9 : memref<80x128xf32, #tpu.memory_space<vmem>>)
      %add3A_60 = arith.constant 2 : i32
      %add3A_61 = arith.addi %mul3A_34, %add3A_60 : i32
      %mul3A_62 = arith.constant 80 : i32
      %mul3A_63 = arith.muli %add3A_61, %mul3A_62 : i32
      %multiple_of3A_64 = tpu.assume_multiple %mul3A_63, 8 : i32
      %dma_start3A_65 = tpu.memref_slice %arg6[%multiple_of3A_64] : memref<10000xi32, #tpu.memory_space<vmem>> -> memref<80xi32, #tpu.memory_space<vmem>>
      %dma_start3A_66 = arith.constant 0 : i32
      %dma_start3A_67 = arith.constant 0 : i32
      %dma_start3A_68 = tpu.memref_slice %arg2[%dma_start3A_66, %dma_start3A_67] : memref<10000x128xf32, #tpu.memory_space<hbm>> -> memref<10000x128xf32, #tpu.memory_space<hbm>>
      tpu.enqueue_indirect_dma source(%dma_start3A_68 : memref<10000x128xf32, #tpu.memory_space<hbm>>) target(%arg8 : memref<80x128xf32, #tpu.memory_space<vmem>>) offsets(%dma_start3A_65 : memref<80xi32, #tpu.memory_space<vmem>>) semaphore(%arg11 : memref<!tpu.dma_semaphore, #tpu.memory_space<semaphore_mem>>)
      %add3A_69 = arith.constant 1 : i32
      %add3A_70 = arith.addi %mul3A_34, %add3A_69 : i32
      "tpu.region"() ({
        %run_scoped3A_71 = tpu.sem_alloc : memref<!tpu.dma_semaphore, #tpu.memory_space<semaphore_mem>>
        %dma_start3A_72 = arith.constant 0 : i32
        %dma_start3A_73 = tpu.memref_slice %arg7[%add3A_70, %dma_start3A_72] : memref<125x80xi32, #tpu.memory_space<vmem>> -> memref<1x80xi32, #tpu.memory_space<vmem>>
        %dma_start3A_74 = tpu.memref_squeeze %dma_start3A_73 : memref<1x80xi32, #tpu.memory_space<vmem>> -> memref<80xi32, #tpu.memory_space<vmem>>
        %dma_start3A_75 = arith.constant 0 : i32
        %dma_start3A_76 = arith.constant 0 : i32
        %dma_start3A_77 = tpu.memref_slice %arg10[%dma_start3A_75, %dma_start3A_76] : memref<10240x128xf32, #tpu.memory_space<vmem_shared>> -> memref<10240x128xf32, #tpu.memory_space<vmem_shared>>
        tpu.enqueue_indirect_dma source(%arg9 : memref<80x128xf32, #tpu.memory_space<vmem>>) target(%dma_start3A_77 : memref<10240x128xf32, #tpu.memory_space<vmem_shared>>) offsets(%dma_start3A_74 : memref<80xi32, #tpu.memory_space<vmem>>) semaphore(%run_scoped3A_71 : memref<!tpu.dma_semaphore, #tpu.memory_space<semaphore_mem>>) {add = true}
        %dma_wait3A_78 = arith.constant 0 : i32
        %dma_wait3A_79 = tpu.memref_slice %arg7[%add3A_70, %dma_wait3A_78] : memref<125x80xi32, #tpu.memory_space<vmem>> -> memref<1x80xi32, #tpu.memory_space<vmem>>
        %dma_wait3A_80 = tpu.memref_squeeze %dma_wait3A_79 : memref<1x80xi32, #tpu.memory_space<vmem>> -> memref<80xi32, #tpu.memory_space<vmem>>
        %dma_wait3A_81 = arith.constant 0 : i32
        %dma_wait3A_82 = arith.constant 0 : i32
        %dma_wait3A_83 = tpu.memref_slice %arg10[%dma_wait3A_81, %dma_wait3A_82] : memref<10240x128xf32, #tpu.memory_space<vmem_shared>> -> memref<10240x128xf32, #tpu.memory_space<vmem_shared>>
        tpu.wait_indirect_dma semaphore(%run_scoped3A_71 : memref<!tpu.dma_semaphore, #tpu.memory_space<semaphore_mem>>) src(%arg9 : memref<80x128xf32, #tpu.memory_space<vmem>>) dst(%dma_wait3A_83 : memref<10240x128xf32, #tpu.memory_space<vmem_shared>>)
        tpu.yield
      }) : () -> ()
    }
    %scan3A_21 = arith.constant 62 : i32
    %multiple_of3A_22 = arith.constant 9920 : i32
    %multiple_of3A_23 = tpu.assume_multiple %multiple_of3A_22, 8 : i32
    %dma_wait3A = tpu.memref_slice %arg6[%multiple_of3A_23] : memref<10000xi32, #tpu.memory_space<vmem>> -> memref<80xi32, #tpu.memory_space<vmem>>
    %dma_wait3A_24 = arith.constant 0 : i32
    %dma_wait3A_25 = arith.constant 0 : i32
    %dma_wait3A_26 = tpu.memref_slice %arg2[%dma_wait3A_24, %dma_wait3A_25] : memref<10000x128xf32, #tpu.memory_space<hbm>> -> memref<10000x128xf32, #tpu.memory_space<hbm>>
    tpu.wait_indirect_dma semaphore(%arg11 : memref<!tpu.dma_semaphore, #tpu.memory_space<semaphore_mem>>) src(%dma_wait3A_26 : memref<10000x128xf32, #tpu.memory_space<hbm>>) dst(%arg8 : memref<80x128xf32, #tpu.memory_space<vmem>>)
    %run_scoped3A = arith.constant 124 : i32
    "tpu.region"() ({
      %run_scoped3A_28 = tpu.sem_alloc : memref<!tpu.dma_semaphore, #tpu.memory_space<semaphore_mem>>
      %dma_start3A_29 = arith.constant 0 : i32
      %dma_start3A_30 = tpu.memref_slice %arg7[%run_scoped3A, %dma_start3A_29] : memref<125x80xi32, #tpu.memory_space<vmem>> -> memref<1x80xi32, #tpu.memory_space<vmem>>
      %dma_start3A_31 = tpu.memref_squeeze %dma_start3A_30 : memref<1x80xi32, #tpu.memory_space<vmem>> -> memref<80xi32, #tpu.memory_space<vmem>>
      %dma_start3A_32 = arith.constant 0 : i32
      %dma_start3A_33 = arith.constant 0 : i32
      %dma_start3A_34 = tpu.memref_slice %arg10[%dma_start3A_32, %dma_start3A_33] : memref<10240x128xf32, #tpu.memory_space<vmem_shared>> -> memref<10240x128xf32, #tpu.memory_space<vmem_shared>>
      tpu.enqueue_indirect_dma source(%arg8 : memref<80x128xf32, #tpu.memory_space<vmem>>) target(%dma_start3A_34 : memref<10240x128xf32, #tpu.memory_space<vmem_shared>>) offsets(%dma_start3A_31 : memref<80xi32, #tpu.memory_space<vmem>>) semaphore(%run_scoped3A_28 : memref<!tpu.dma_semaphore, #tpu.memory_space<semaphore_mem>>) {add = true}
      %dma_wait3A_35 = arith.constant 0 : i32
      %dma_wait3A_36 = tpu.memref_slice %arg7[%run_scoped3A, %dma_wait3A_35] : memref<125x80xi32, #tpu.memory_space<vmem>> -> memref<1x80xi32, #tpu.memory_space<vmem>>
      %dma_wait3A_37 = tpu.memref_squeeze %dma_wait3A_36 : memref<1x80xi32, #tpu.memory_space<vmem>> -> memref<80xi32, #tpu.memory_space<vmem>>
      %dma_wait3A_38 = arith.constant 0 : i32
      %dma_wait3A_39 = arith.constant 0 : i32
      %dma_wait3A_40 = tpu.memref_slice %arg10[%dma_wait3A_38, %dma_wait3A_39] : memref<10240x128xf32, #tpu.memory_space<vmem_shared>> -> memref<10240x128xf32, #tpu.memory_space<vmem_shared>>
      tpu.wait_indirect_dma semaphore(%run_scoped3A_28 : memref<!tpu.dma_semaphore, #tpu.memory_space<semaphore_mem>>) src(%arg8 : memref<80x128xf32, #tpu.memory_space<vmem>>) dst(%dma_wait3A_40 : memref<10240x128xf32, #tpu.memory_space<vmem_shared>>)
      tpu.yield
    }) : () -> ()
    %barrier3A_27 = arith.constant 0 : index
    tpu.barrier barrier_id(%barrier3A_27)
    "tpu.region"() ({
      %run_scoped3A_28 = tpu.sem_alloc : memref<!tpu.dma_semaphore, #tpu.memory_space<semaphore_mem>>
      %dma_start3A_29 = arith.constant 0 : i32
      %dma_start3A_30 = arith.constant 0 : i32
      %dma_start3A_31 = tpu.memref_slice %arg5[%arg0, %dma_start3A_29, %dma_start3A_30] : memref<2x10240x128xf32, #tpu.memory_space<hbm>> -> memref<1x10240x128xf32, #tpu.memory_space<hbm>>
      %dma_start3A_32 = tpu.memref_squeeze %dma_start3A_31 : memref<1x10240x128xf32, #tpu.memory_space<hbm>> -> memref<10240x128xf32, #tpu.memory_space<hbm>>
      %dma_start3A_33 = arith.constant 0 : i32
      %dma_start3A_34 = tpu.memref_slice %dma_start3A_32[%multiple_of3A, %dma_start3A_33] : memref<10240x128xf32, #tpu.memory_space<hbm>> -> memref<640x128xf32, #tpu.memory_space<hbm>>
      %dma_start3A_35 = arith.constant 0 : i32
      %dma_start3A_36 = tpu.memref_slice %arg10[%multiple_of3A, %dma_start3A_35] : memref<10240x128xf32, #tpu.memory_space<vmem_shared>> -> memref<640x128xf32, #tpu.memory_space<vmem_shared>>
      tpu.enqueue_dma source(%dma_start3A_36 : memref<640x128xf32, #tpu.memory_space<vmem_shared>>) target(%dma_start3A_34 : memref<640x128xf32, #tpu.memory_space<hbm>>) target_semaphore(%run_scoped3A_28 : memref<!tpu.dma_semaphore, #tpu.memory_space<semaphore_mem>>)
      %dma_wait3A_37 = arith.constant 0 : i32
      %dma_wait3A_38 = arith.constant 0 : i32
      %dma_wait3A_39 = tpu.memref_slice %arg5[%arg0, %dma_wait3A_37, %dma_wait3A_38] : memref<2x10240x128xf32, #tpu.memory_space<hbm>> -> memref<1x10240x128xf32, #tpu.memory_space<hbm>>
      %dma_wait3A_40 = tpu.memref_squeeze %dma_wait3A_39 : memref<1x10240x128xf32, #tpu.memory_space<hbm>> -> memref<10240x128xf32, #tpu.memory_space<hbm>>
      %dma_wait3A_41 = arith.constant 0 : i32
      %dma_wait3A_42 = tpu.memref_slice %dma_wait3A_40[%multiple_of3A, %dma_wait3A_41] : memref<10240x128xf32, #tpu.memory_space<hbm>> -> memref<640x128xf32, #tpu.memory_space<hbm>>
      %dma_wait3A_43 = arith.constant 0 : i32
      %dma_wait3A_44 = tpu.memref_slice %arg10[%multiple_of3A, %dma_wait3A_43] : memref<10240x128xf32, #tpu.memory_space<vmem_shared>> -> memref<640x128xf32, #tpu.memory_space<vmem_shared>>
      tpu.wait_dma2 semaphore(%run_scoped3A_28 : memref<!tpu.dma_semaphore, #tpu.memory_space<semaphore_mem>>) src(%dma_wait3A_44 : memref<640x128xf32, #tpu.memory_space<vmem_shared>>) dst(%dma_wait3A_42 : memref<640x128xf32, #tpu.memory_space<hbm>>)
      tpu.yield
    }) : () -> ()
    return
  }
}

module attributes {stable_mosaic.version = 14 : i64} {
  func.func @_tc1(%arg0: memref<2x10240xf32, #tpu.memory_space<vmem>>, %arg1: memref<10000x128xf32, #tpu.memory_space<vmem>>, %arg2: memref<128x128xf32, #tpu.memory_space<vmem>>, %arg3: memref<10000x128xf32, #tpu.memory_space<vmem>>, %arg4: memref<10000x1xf32, #tpu.memory_space<vmem>>) attributes {dimension_semantics = [], scalar_prefetch = 0 : i64, scratch_operands = 0 : i64, tpu.core_type = #tpu.core_type<tc>} {
    %get3A = arith.constant 0 : index
    %get3A_0 = arith.constant 0 : index
    %get3A_1 = vector.load %arg0[%get3A, %get3A_0] : memref<2x10240xf32, #tpu.memory_space<vmem>>, vector<1x10000xf32>
    %get3A_2 = vector.shape_cast %get3A_1 : vector<1x10000xf32> to vector<10000xf32>
    %get3A_3 = arith.constant 1 : index
    %get3A_4 = arith.constant 0 : index
    %get3A_5 = vector.load %arg0[%get3A_3, %get3A_4] : memref<2x10240xf32, #tpu.memory_space<vmem>>, vector<1x10000xf32>
    %get3A_6 = vector.shape_cast %get3A_5 : vector<1x10000xf32> to vector<10000xf32>
    %add3A = arith.addf %get3A_2, %get3A_6 : vector<10000xf32>
    %add3A_7 = arith.constant 1.000000e+00 : f32
    %add3A_8 = vector.broadcast %add3A_7 : f32 to vector<10000xf32>
    %add3A_9 = arith.addf %add3A, %add3A_8 : vector<10000xf32>
    %reshape3A = vector.shape_cast %add3A_9 : vector<10000xf32> to vector<10000x1xf32>
    %rsqrt3A = math.rsqrt %reshape3A : vector<10000x1xf32>
    %get3A_10 = arith.constant 0 : index
    %get3A_11 = arith.constant 0 : index
    %get3A_12 = vector.load %arg1[%get3A_10, %get3A_11] : memref<10000x128xf32, #tpu.memory_space<vmem>>, vector<10000x128xf32>
    %get3A_13 = arith.constant 0 : index
    %get3A_14 = arith.constant 0 : index
    %get3A_15 = vector.load %arg2[%get3A_13, %get3A_14] : memref<128x128xf32, #tpu.memory_space<vmem>>, vector<128x128xf32>
    %dot_general3A = arith.constant dense<0.000000e+00> : vector<10000x128xf32>
    %dot_general3A_16 = tpu.matmul %get3A_12, %get3A_15, %dot_general3A {dimension_numbers = #tpu.dot_dimension_numbers<[1], [0], [0], [1], [0, 0, 1, 1], [], []>, transpose_lhs_hint = false} : vector<10000x128xf32>, vector<128x128xf32>, vector<10000x128xf32> -> vector<10000x128xf32>
    %mul3A = vector.broadcast %rsqrt3A : vector<10000x1xf32> to vector<10000x128xf32>
    %mul3A_17 = arith.mulf %dot_general3A_16, %mul3A : vector<10000x128xf32>
    %swap3A = arith.constant 0 : index
    %swap3A_18 = arith.constant 0 : index
    %swap3A_19 = vector.load %arg3[%swap3A, %swap3A_18] : memref<10000x128xf32, #tpu.memory_space<vmem>>, vector<10000x128xf32>
    tpu.vector_store %arg3[%swap3A, %swap3A_18], %mul3A_17 {strides = array<i32>} : memref<10000x128xf32, #tpu.memory_space<vmem>>, vector<10000x128xf32>,
    %swap3A_20 = arith.constant 0 : index
    %swap3A_21 = arith.constant 0 : index
    %swap3A_22 = vector.load %arg4[%swap3A_20, %swap3A_21] : memref<10000x1xf32, #tpu.memory_space<vmem>>, vector<10000x1xf32>
    tpu.vector_store %arg4[%swap3A_20, %swap3A_21], %rsqrt3A {strides = array<i32>} : memref<10000x1xf32, #tpu.memory_space<vmem>>, vector<10000x1xf32>,
    return
  }
}

module attributes {stable_mosaic.version = 14 : i64} {
  func.func @_tc2(%arg0: memref<2x10240x128xf32, #tpu.memory_space<vmem>>, %arg1: memref<10000x128xf32, #tpu.memory_space<vmem>>, %arg2: memref<10000x1xf32, #tpu.memory_space<vmem>>, %arg3: memref<1x128xf32, #tpu.memory_space<vmem>>, %arg4: memref<128x128xf32, #tpu.memory_space<vmem>>, %arg5: memref<10000x128xf32, #tpu.memory_space<vmem>>) attributes {dimension_semantics = [], scalar_prefetch = 0 : i64, scratch_operands = 0 : i64, tpu.core_type = #tpu.core_type<tc>} {
    %get3A = arith.constant 0 : index
    %get3A_0 = arith.constant 0 : index
    %get3A_1 = vector.load %arg2[%get3A, %get3A_0] : memref<10000x1xf32, #tpu.memory_space<vmem>>, vector<10000x1xf32>
    %get3A_2 = arith.constant 0 : index
    %get3A_3 = arith.constant 0 : index
    %get3A_4 = arith.constant 0 : index
    %get3A_5 = vector.load %arg0[%get3A_2, %get3A_3, %get3A_4] : memref<2x10240x128xf32, #tpu.memory_space<vmem>>, vector<1x10000x128xf32>
    %get3A_6 = vector.shape_cast %get3A_5 : vector<1x10000x128xf32> to vector<10000x128xf32>
    %get3A_7 = arith.constant 1 : index
    %get3A_8 = arith.constant 0 : index
    %get3A_9 = arith.constant 0 : index
    %get3A_10 = vector.load %arg0[%get3A_7, %get3A_8, %get3A_9] : memref<2x10240x128xf32, #tpu.memory_space<vmem>>, vector<1x10000x128xf32>
    %get3A_11 = vector.shape_cast %get3A_10 : vector<1x10000x128xf32> to vector<10000x128xf32>
    %add3A = arith.addf %get3A_6, %get3A_11 : vector<10000x128xf32>
    %get3A_12 = arith.constant 0 : index
    %get3A_13 = arith.constant 0 : index
    %get3A_14 = vector.load %arg1[%get3A_12, %get3A_13] : memref<10000x128xf32, #tpu.memory_space<vmem>>, vector<10000x128xf32>
    %add3A_15 = arith.addf %add3A, %get3A_14 : vector<10000x128xf32>
    %mul3A = vector.broadcast %get3A_1 : vector<10000x1xf32> to vector<10000x128xf32>
    %mul3A_16 = arith.mulf %add3A_15, %mul3A : vector<10000x128xf32>
    %get3A_17 = arith.constant 0 : index
    %get3A_18 = arith.constant 0 : index
    %get3A_19 = vector.load %arg3[%get3A_17, %get3A_18] : memref<1x128xf32, #tpu.memory_space<vmem>>, vector<1x128xf32>
    %add3A_20 = vector.broadcast %get3A_19 : vector<1x128xf32> to vector<10000x128xf32>
    %add3A_21 = arith.addf %mul3A_16, %add3A_20 : vector<10000x128xf32>
    %max3A = arith.constant 0.000000e+00 : f32
    %max3A_22 = vector.broadcast %max3A : f32 to vector<10000x128xf32>
    %max3A_23 = arith.maximumf %add3A_21, %max3A_22 : vector<10000x128xf32>
    %get3A_24 = arith.constant 0 : index
    %get3A_25 = arith.constant 0 : index
    %get3A_26 = vector.load %arg4[%get3A_24, %get3A_25] : memref<128x128xf32, #tpu.memory_space<vmem>>, vector<128x128xf32>
    %dot_general3A = arith.constant dense<0.000000e+00> : vector<10000x128xf32>
    %dot_general3A_27 = tpu.matmul %max3A_23, %get3A_26, %dot_general3A {dimension_numbers = #tpu.dot_dimension_numbers<[1], [0], [0], [1], [0, 0, 1, 1], [], []>, transpose_lhs_hint = false} : vector<10000x128xf32>, vector<128x128xf32>, vector<10000x128xf32> -> vector<10000x128xf32>
    %mul3A_28 = vector.broadcast %get3A_1 : vector<10000x1xf32> to vector<10000x128xf32>
    %mul3A_29 = arith.mulf %dot_general3A_27, %mul3A_28 : vector<10000x128xf32>
    %swap3A = arith.constant 0 : index
    %swap3A_30 = arith.constant 0 : index
    %swap3A_31 = vector.load %arg5[%swap3A, %swap3A_30] : memref<10000x128xf32, #tpu.memory_space<vmem>>, vector<10000x128xf32>
    tpu.vector_store %arg5[%swap3A, %swap3A_30], %mul3A_29 {strides = array<i32>} : memref<10000x128xf32, #tpu.memory_space<vmem>>, vector<10000x128xf32>,
    return
  }
}

module attributes {stable_mosaic.version = 14 : i64} {
  func.func @_tc3(%arg0: memref<2x10240x128xf32, #tpu.memory_space<vmem>>, %arg1: memref<10000x128xf32, #tpu.memory_space<vmem>>, %arg2: memref<10000x1xf32, #tpu.memory_space<vmem>>, %arg3: memref<1x128xf32, #tpu.memory_space<vmem>>, %arg4: memref<128x1xf32, #tpu.memory_space<vmem>>, %arg5: memref<10000x128xf32, #tpu.memory_space<vmem>>, %arg6: memref<10000x1xf32, #tpu.memory_space<vmem>>) attributes {dimension_semantics = [], scalar_prefetch = 0 : i64, scratch_operands = 0 : i64, tpu.core_type = #tpu.core_type<tc>} {
    %get3A = arith.constant 0 : index
    %get3A_0 = arith.constant 0 : index
    %get3A_1 = vector.load %arg2[%get3A, %get3A_0] : memref<10000x1xf32, #tpu.memory_space<vmem>>, vector<10000x1xf32>
    %get3A_2 = arith.constant 0 : index
    %get3A_3 = arith.constant 0 : index
    %get3A_4 = arith.constant 0 : index
    %get3A_5 = vector.load %arg0[%get3A_2, %get3A_3, %get3A_4] : memref<2x10240x128xf32, #tpu.memory_space<vmem>>, vector<1x10000x128xf32>
    %get3A_6 = vector.shape_cast %get3A_5 : vector<1x10000x128xf32> to vector<10000x128xf32>
    %get3A_7 = arith.constant 1 : index
    %get3A_8 = arith.constant 0 : index
    %get3A_9 = arith.constant 0 : index
    %get3A_10 = vector.load %arg0[%get3A_7, %get3A_8, %get3A_9] : memref<2x10240x128xf32, #tpu.memory_space<vmem>>, vector<1x10000x128xf32>
    %get3A_11 = vector.shape_cast %get3A_10 : vector<1x10000x128xf32> to vector<10000x128xf32>
    %add3A = arith.addf %get3A_6, %get3A_11 : vector<10000x128xf32>
    %get3A_12 = arith.constant 0 : index
    %get3A_13 = arith.constant 0 : index
    %get3A_14 = vector.load %arg1[%get3A_12, %get3A_13] : memref<10000x128xf32, #tpu.memory_space<vmem>>, vector<10000x128xf32>
    %add3A_15 = arith.addf %add3A, %get3A_14 : vector<10000x128xf32>
    %mul3A = vector.broadcast %get3A_1 : vector<10000x1xf32> to vector<10000x128xf32>
    %mul3A_16 = arith.mulf %add3A_15, %mul3A : vector<10000x128xf32>
    %get3A_17 = arith.constant 0 : index
    %get3A_18 = arith.constant 0 : index
    %get3A_19 = vector.load %arg3[%get3A_17, %get3A_18] : memref<1x128xf32, #tpu.memory_space<vmem>>, vector<1x128xf32>
    %add3A_20 = vector.broadcast %get3A_19 : vector<1x128xf32> to vector<10000x128xf32>
    %add3A_21 = arith.addf %mul3A_16, %add3A_20 : vector<10000x128xf32>
    %max3A = arith.constant 0.000000e+00 : f32
    %max3A_22 = vector.broadcast %max3A : f32 to vector<10000x128xf32>
    %max3A_23 = arith.maximumf %add3A_21, %max3A_22 : vector<10000x128xf32>
    %get3A_24 = arith.constant 0 : index
    %get3A_25 = arith.constant 0 : index
    %get3A_26 = vector.load %arg4[%get3A_24, %get3A_25] : memref<128x1xf32, #tpu.memory_space<vmem>>, vector<128x1xf32>
    %dot_general3A = arith.constant dense<0.000000e+00> : vector<10000x1xf32>
    %dot_general3A_27 = tpu.matmul %max3A_23, %get3A_26, %dot_general3A {dimension_numbers = #tpu.dot_dimension_numbers<[1], [0], [0], [1], [0, 0, 1, 1], [], []>, transpose_lhs_hint = false} : vector<10000x128xf32>, vector<128x1xf32>, vector<10000x1xf32> -> vector<10000x1xf32>
    %reduce_max3A = vector.shape_cast %dot_general3A_27 : vector<10000x1xf32> to vector<1x10000x1xf32>
    %reduce_max3A_28 = arith.constant dense<0xFF800000> : vector<1xf32>
    %reduce_max3A_29 = vector.multi_reduction <maximumf>, %reduce_max3A, %reduce_max3A_28 [1, 2] : vector<1x10000x1xf32> to vector<1xf32>
    %reduce_max3A_30 = vector.shape_cast %reduce_max3A_29 : vector<1xf32> to vector<1x1x1xf32>
    %reduce_max3A_31 = vector.extract %reduce_max3A_30[0, 0, 0] : f32 from vector<1x1x1xf32>
    %sub3A = vector.broadcast %reduce_max3A_31 : f32 to vector<10000x1xf32>
    %sub3A_32 = arith.subf %dot_general3A_27, %sub3A : vector<10000x1xf32>
    %exp3A = math.exp %sub3A_32 : vector<10000x1xf32>
    %reduce_sum3A = vector.shape_cast %exp3A : vector<10000x1xf32> to vector<1x10000x1xf32>
    %reduce_sum3A_33 = arith.constant dense<0.000000e+00> : vector<1xf32>
    %reduce_sum3A_34 = vector.multi_reduction <add>, %reduce_sum3A, %reduce_sum3A_33 [1, 2] : vector<1x10000x1xf32> to vector<1xf32>
    %reduce_sum3A_35 = vector.shape_cast %reduce_sum3A_34 : vector<1xf32> to vector<1x1x1xf32>
    %reduce_sum3A_36 = vector.extract %reduce_sum3A_35[0, 0, 0] : f32 from vector<1x1x1xf32>
    %div3A = vector.broadcast %reduce_sum3A_36 : f32 to vector<10000x1xf32>
    %div3A_37 = arith.divf %exp3A, %div3A : vector<10000x1xf32>
    %mul3A_38 = vector.broadcast %div3A_37 : vector<10000x1xf32> to vector<10000x128xf32>
    %mul3A_39 = arith.mulf %max3A_23, %mul3A_38 : vector<10000x128xf32>
    %swap3A = arith.constant 0 : index
    %swap3A_40 = arith.constant 0 : index
    %swap3A_41 = vector.load %arg5[%swap3A, %swap3A_40] : memref<10000x128xf32, #tpu.memory_space<vmem>>, vector<10000x128xf32>
    tpu.vector_store %arg5[%swap3A, %swap3A_40], %mul3A_39 {strides = array<i32>} : memref<10000x128xf32, #tpu.memory_space<vmem>>, vector<10000x128xf32>,
    %swap3A_42 = arith.constant 0 : index
    %swap3A_43 = arith.constant 0 : index
    %swap3A_44 = vector.load %arg6[%swap3A_42, %swap3A_43] : memref<10000x1xf32, #tpu.memory_space<vmem>>, vector<10000x1xf32>
    tpu.vector_store %arg6[%swap3A_42, %swap3A_43], %div3A_37 {strides = array<i32>} : memref<10000x1xf32, #tpu.memory_space<vmem>>, vector<10000x1xf32>,
    return
  }
}

</mosaic_0001>

<sc_bundles>
// kernel: kernel.11.cloned.1.call-start
scs
__scs_entry_jumppad:
0x0: {  	(pc) =	sbr.rel $0x88, $3  }
0x1: {  	(tag) =	ssettag $0x0;
	lr =	simm.s32 $0x1  }
0x2: {  	[smem:$0x3F9A] =	sst lr;
	_ =	strace $0xD0000000  }
0x3: {  	_ = 	snop  }
0x4: {  	_ = 	snop  }
0x5: {  	_ = 	snop  }
0x6: {  	_ = 	snop  }
0x7: {  	_ = 	snop  }
__scs_overlays_trampoline_lowered:
0x8: {  	[smem:$0x3FA9] =	sst s0  }
0x9: {  	[smem:$0x3FAA] =	sst s1  }
0xa: {  	[smem:$0x3FAB] =	sst s2  }
0xb: {  	[smem:$0x3FAC] =	sst s3  }
0xc: {  	[smem:$0x3FAD] =	sst s4  }
0xd: {  	[smem:$0x3FAE] =	sst s5  }
0xe: {  	[smem:$0x3FAF] =	sst s6  }
0xf: {  	[smem:$0x3FB0] =	sst s7  }
0x10: {  	[smem:$0x3FB1] =	sst s8  }
0x11: {  	[smem:$0x3FB2] =	sst s9;
	s0 =	simm.s32 @!p0 $0x0  }
0x12: {  	s1 =	sld [smem:$0x3F98];
	s0 =	simm.s32 @p0 $0x1  }
0x13: {  	[smem:$0x3FB3] =	sst s0;
	s0 =	simm.s32 @!p1 $0x0  }
0x14: {  	s2 =	sld [smem:$0x3F97];
	s0 =	simm.s32 @p1 $0x1  }
0x15: {  	[smem:$0x3FB4] =	sst s0;
	s0 =	simm.s32 @!p2 $0x0  }
0x16: {  	s3 =	sld [smem:$0x3FDB];
	s0 =	simm.s32 @p2 $0x1  }
0x17: {  	s4 =	simm.s32 $0x1BF5;
	[smem:$0x3FB6] =	sst s0  }
0x18: {  	s0 =	sld [smem:$0x3F99];
	_ =	swait.ge [sflag:s4], $0x0  }
0x19: {  	s7 =	sld [smem:$0x3F9A]  }
0x1a: {  	s8 =	sadd.s32 $0xFFFFE003, lr  }
0x1b: {  	s9 =	sadd.s32 $0xFFFFFEF7, lr;
	s5 =	simm.s32 $0xFFFFFFFF;
	p2 =	slt.u32 s8, $0xFFFFF086  }
0x1c: {  	p1 =	slt.u32 s9, $0xF7A;
	s5 =	simm.s32 @!p2 $0x0  }
0x1d: {  	s5 =	simm.s32 @p1 $0x1;
	p0 =	seq.s32 s7, s2  }
0x1e: {  	s7 =	smul.u32 @!p0 $0xF7A, s2;
	p2 =	seq.s32 @!p0 s5, $0x0  }
0x1f: {  	s9 =	smul.u32 $0xF7A, s1;
	s8 =	simm.s32 @!p0 $0x1BF5;
	p2 =	por !p2, p0  }
0x20: {  	[sflag:s8] =	ssyncset.s32 @!p0 $0xFFFFF086;
	s6 =	sadd.s32 @!p0 s3, s7;
	s7 =	simm.s32 @!p0 $0x108  }
0x21: {  	s3 =	sadd.s32 s3, s9;
	s6 =	sadd.s32 @!p0 $0x88, s6;
	s7 =	simm.s32 @p2 $0x1082  }
0x22: {  	[simem:s7], [sflag:s8] =	dma.local @!p0 [hbm:s6], $0xF7A  }
0x23: {  	s9 =	sor.u32 $0xD0000000, s2;
	s6 =	simm.s32 $0x108;
	_ =	swait.ge @!p0 [sflag:s8], $0x0  }
0x24: {  	s3 =	sadd.s32 $0x88, s3;
	s6 =	simm.s32 @!p1 $0x1082;
	[sflag:s4] =	ssyncset.s32 $0xFFFFF086  }
0x25: {  	[simem:s6], [sflag:s4] =	dma.local [hbm:s3], $0xF7A  }
0x26: {  	[smem:$0x3F9A] =	sst s1;
	(tag) =	ssettag s2;
	_ =	strace s9  }
0x27: {  	s1 =	sld [smem:$0x3FAA]  }
0x28: {  	s2 =	sld [smem:$0x3FAB]  }
0x29: {  	s4 =	sld [smem:$0x3FAD]  }
0x2a: {  	p0 =	seq.s32 s5, $0x0;
	s5 =	sld [smem:$0x3FAE]  }
0x2b: {  	s6 =	sld [smem:$0x3FAF]  }
0x2c: {  	s7 =	sld [smem:$0x3FB0]  }
0x2d: {  	s3 =	simm.s32 $0x108;
	s8 =	sld [smem:$0x3FB1]  }
0x2e: {  	s3 =	simm.s32 @!p0 $0x1082;
	s9 =	sld [smem:$0x3FB2]  }
0x2f: {  	lr =	sadd.s32 s0, s3;
	s0 =	sld [smem:$0x3FA9]  }
0x30: {  	s3 =	sld [smem:$0x3FAC]  }
0x31: {  	[smem:$0x3FB5] =	sst s10  }
0x32: {  	s10 =	sld [smem:$0x3FB3];
	_ =	sdelay $0x3  }
0x33: {  	p0 =	seq.s32 s10, $0x1;
	s10 =	sld [smem:$0x3FB5];
	_ =	sdelay $0x3  }
0x34: {  	[smem:$0x3FB5] =	sst s10  }
0x35: {  	s10 =	sld [smem:$0x3FB4];
	_ =	sdelay $0x3  }
0x36: {  	p1 =	seq.s32 s10, $0x1;
	s10 =	sld [smem:$0x3FB5];
	_ =	sdelay $0x3  }
0x37: {  	[smem:$0x3FB5] =	sst s10  }
0x38: {  	s10 =	sld [smem:$0x3FB6]  }
0x39: {  	_ = 	snop;
	(pc) =	sbr.ind lr, $3  }
0x3a: {  	_ = 	snop  }
0x3b: {  	_ = 	snop  }
0x3c: {  	p2 =	seq.s32 s10, $0x1;
	s10 =	sld [smem:$0x3FB5]  }
0x3d: {  	_ =	shalt  }
0x3e: {  	_ =	shalt  }
0x3f: {  	_ =	shalt  }
0x40: {  	_ =	shalt  }
0x41: {  	_ =	shalt  }
0x42: {  	_ =	shalt  }
0x43: {  	_ =	shalt  }
0x44: {  	_ =	shalt  }
0x45: {  	_ =	shalt  }
0x46: {  	_ =	shalt  }
0x47: {  	_ =	shalt  }
0x48: {  	_ =	shalt  }
0x49: {  	_ =	shalt  }
0x4a: {  	_ =	shalt  }
0x4b: {  	_ =	shalt  }
0x4c: {  	_ =	shalt  }
0x4d: {  	_ =	shalt  }
0x4e: {  	_ =	shalt  }
0x4f: {  	_ =	shalt  }
0x50: {  	_ =	shalt  }
0x51: {  	_ =	shalt  }
0x52: {  	_ =	shalt  }
0x53: {  	_ =	shalt  }
0x54: {  	_ =	shalt  }
0x55: {  	_ =	shalt  }
0x56: {  	_ =	shalt  }
0x57: {  	_ =	shalt  }
0x58: {  	_ =	shalt  }
0x59: {  	_ =	shalt  }
0x5a: {  	_ =	shalt  }
0x5b: {  	_ =	shalt  }
0x5c: {  	_ =	shalt  }
0x5d: {  	_ =	shalt  }
0x5e: {  	_ =	shalt  }
0x5f: {  	_ =	shalt  }
0x60: {  	_ =	shalt  }
0x61: {  	_ =	shalt  }
0x62: {  	_ =	shalt  }
0x63: {  	_ =	shalt  }
0x64: {  	_ =	shalt  }
0x65: {  	_ =	shalt  }
0x66: {  	_ =	shalt  }
0x67: {  	_ =	shalt  }
0x68: {  	_ =	shalt  }
0x69: {  	_ =	shalt  }
0x6a: {  	_ =	shalt  }
0x6b: {  	_ =	shalt  }
0x6c: {  	_ =	shalt  }
0x6d: {  	_ =	shalt  }
0x6e: {  	_ =	shalt  }
0x6f: {  	_ =	shalt  }
0x70: {  	_ =	shalt  }
0x71: {  	_ =	shalt  }
0x72: {  	_ =	shalt  }
0x73: {  	_ =	shalt  }
0x74: {  	_ =	shalt  }
0x75: {  	_ =	shalt  }
0x76: {  	_ =	shalt  }
0x77: {  	_ =	shalt  }
0x78: {  	_ =	shalt  }
0x79: {  	_ =	shalt  }
0x7a: {  	_ =	shalt  }
0x7b: {  	_ =	shalt  }
0x7c: {  	_ =	shalt  }
0x7d: {  	_ =	shalt  }
0x7e: {  	_ =	shalt  }
0x7f: {  	_ =	shalt  }
0x80: {  	_ =	shalt  }
0x81: {  	_ =	shalt  }
0x82: {  	_ =	shalt  }
0x83: {  	_ =	shalt  }
0x84: {  	_ =	shalt  }
0x85: {  	_ =	shalt  }
0x86: {  	_ =	shalt  }
0x87: {  	_ =	shalt  }
.Lfunc_end0:
.L_simem_size_0:
called_computation.1_lowered:
.L_overlay_start_0:
0x88: {  	s2 =	sld [smem:$0x3FD9]  }
0x89: {  	s3 =	sld [smem:$0x3FFE];
	_ =	sdelay $0x1  }
0x8a: {  	s1 =	srdreg.scid  }
0x8b: {  	s0 =	sand.u32 $0x1, s1  }
0x8c: {  	s14 =	sshll.u32 s0, $0xA;
	s2 =	sadd.s32 s3, s2  }
0x8d: {  	s2 =	sadd.s32 s2, s14  }
0x8e: {  	[smem:$0x3FC1] =	sst s2  }
0x8f: {  	_ = 	snop  }
0x90: {  	s2 =	sld [smem:$0x3FD0];
	_ =	sdelay $0x2  }
0x91: {  	s15 =	simm.s32 $0xA;
	s4 =	simm.s32 $0x10  }
0x92: {  	[smem:s4], [sflag:s15] =	dma.local [hbm:s2], $0x1  }
0x93: {  	_ =	swait.eq [sflag:s15], $0x1  }
0x94: {  	[sflag:s15] =	ssyncset.done $0x0  }
0x95: {  	[sflag:s15] =	ssyncadd.s32 $0xFFFFFFFF  }
0x96: {  	s16 =	sld [smem:$0x10];
	(tm) =	ssettm $0x1  }
0x97: {  	s17 =	sld [smem:$0x3FFB];
	_ =	sdelay $0x3  }
0x98: {  	_ =	strace s17  }
0x99: {  	s3 =	sld [smem:$0x3FFC];
	_ =	sdelay $0x3  }
0x9a: {  	_ =	strace s3  }
0x9b: {  	s3 =	sld [smem:$0x3FFD];
	_ =	sdelay $0x3  }
0x9c: {  	_ =	strace s3  }
0x9d: {  	_ =	strace $0x8FFFFFFF  }
0x9e: {  	s18 =	sld [smem:$0x3FDB];
	_ =	sdelay $0x1  }
0x9f: {  	s19 =	simm.s32 $_scs_section_size  }
0xa0: {  	s5 =	simm.s32 $_size__tile_overlayer_lowered;
	s6 =	simm.s32 $_tile_overlayer_lowered  }
0xa1: {  	s22 =	simm.s32 $0x1BFF;
	s21 =	sshll.u32 s6, $0x1;
	s3 =	sadd.s32 s19, s18  }
0xa2: {  	s7 =	simm.s32 $0x0;
	s20 =	sshll.u32 s5, $0x1;
	s5 =	sadd.s32 s21, s3  }
0xa3: {  	[timem:s7], [sflag:s22] =	dma.local [hbm:s5], s20  }
0xa4: {  	_ =	swait.ge [sflag:s22], s20  }
0xa5: {  	s4 =	ssub.s32 $0x0, s20;
	[sflag:s22] =	ssyncset.done $0x0  }
0xa6: {  	[sflag:s22] =	ssyncadd.s32 s4;
	_ =	sdelay $0x1  }
0xa7: {  	s23 =	simm.s32 $0x1B8B  }
0xa8: {  	_ =	swait.ge [sflag:s23], $0x1  }
0xa9: {  	[sflag:s23] =	ssyncset.done $0x0  }
0xaa: {  	s25 =	simm.s32 $0x1B8E;
	s24 =	sld [smem:$0x3FFE];
	[sflag:s23] =	ssyncadd.s32 $0xFFFFFFFF  }
0xab: {  	s26 =	simm.s32 $execute0_lowered;
	[smem:$0x3FD2] =	sst s25  }
0xac: {  	s5 =	sshll.u32 s26, $0x1;
	_ =	strace $0x80000049;
	[dreg:$0x1] =	wrdreg $0xFFFFFFFF  }
0xad: {  	s28 =	simm.s32 $_size_execute0_lowered;
	s3 =	sadd.s32 s3, s5;
	[dreg:$0x0] =	wrdreg $0x0  }
0xae: {  	s5 =	sshll.u32 s28, $0x1;
	[dreg:$0x2] =	wrdreg s3  }
0xaf: {  	[dreg:$0x3] =	wrdreg s5  }
0xb0: {  	[dreg:$0x4] =	wrdreg $0xC0  }
0xb1: {  	_ =	task [dreg:s7], $0x5FFFF  }
0xb2: {  	[dreg:$0x1] =	wrdreg $0xFFFFFFFF  }
0xb3: {  	[dreg:$0x0] =	wrdreg $0x60  }
0xb4: {  	[dreg:$0x2] =	wrdreg s16  }
0xb5: {  	[dreg:$0x3] =	wrdreg s24  }
0xb6: {  	[dreg:$0x4] =	wrdreg $0xB7800  }
0xb7: {  	[dreg:$0x5] =	wrdreg $0x9  }
0xb8: {  	_ =	task.clear_ibuf [dreg:s7], $0x6FFFF;
	_ =	strace $0x90000049  }
0xb9: {  	s29 =	simm.s32 $0x9;
	_ =	strace $0x8000004B  }
0xba: {  	_ =	swait.ge [sflag:s29], $0x1  }
0xbb: {  	[sflag:s29] =	ssyncadd.s32 $0xFFFFFFFF  }
0xbc: {  	_ =	strace $0x9000004B  }
0xbd: {  	_ =	sfence  }
0xbe: {  	s30 =	sld [smem:$0x0];
	_ =	sdelay $0x2  }
0xbf: {  	s31 =	sshll.u32 s1, $0xD;
	s1 =	sshrl.u32 s1, $0x2  }
0xc0: {  	s3 =	sand.u32 $0x4000, s31;
	s1 =	sadd.s32 s1, s30  }
0xc1: {  	s0 =	sor.u32 s3, s0;
	s1 =	sshll.u32 s1, $0x11  }
0xc2: {  	s0 =	sor.u32 s1, s0  }
0xc3: {  	s0 =	sadd.s32 $0x8F2B, s0  }
0xc4: {  	[sflag:s0] =	ssyncadd.remote.s32 $0x1  }
0xc5: {  	_ =	sfence.sel $0xFFFF  }
0xc6: {  	[dreg:$0x0] =	wrdreg $0xFFFFFFFF;
	(pc) =	sbr.abs _section_cstart, $3  }
0xc7: {  	[dreg:$0x1] =	wrdreg $0xFFFFFFFF  }
0xc8: {  	_ =	task.clear_ibuf [dreg:s7], $0x2FFFF;
	_ =	strace $0x9FFFFFFF  }
0xc9: {  	(tm) =	ssettm $0x7FFFFFFF  }
tec
execute0_lowered:
.L_overlay_start_1:
0x0: {  	(tag) =	ssettag $0x1  }
0x1: {  	s7 =	rddreg [dreg:$0x1]  }
0x2: {  	s0 =	srdreg.scid;
	s3 =	rddreg [dreg:$0x2];
	s4 =	simm.s32 $0x0  }
0x3: {  	s16 =	simm.s32 $0x80;
	s17 =	simm.s32 $0x400;
	s18 =	simm.s32 $0x3  }
0x4: {  	s19 =	simm.s32 $0x2780;
	s20 =	simm.s32 $0x6780;
	s21 =	simm.s32 $0x50  }
0x5: {  	s22 =	simm.s32 $0x1;
	s23 =	simm.s32 $0x8F80;
	s5 =	sand.u32 $0x1, s0  }
0x6: {  	s0 =	stileid.u32;
	s1 =	sshll.u32 s5, $0x4;
	s29 =	smul.u32 $0x28000, s5  }
0x7: {  	s28 =	simm.s32 $0x0;
	s10 =	smul.u32 $0x50000, s0;
	s6 =	sor.u32 s0, s1  }
0x8: {  	[smem:$0x7FF] =	sst s4;
	s25 =	smul.u32 $0x2800, s0;
	s2 =	sshrl.u32 s6, $0x3  }
0x9: {  	s26 =	sshll.u32 s0, $0x7;
	s5 =	ssub.s32 $0x2, s5;
	s8 =	smul.u32 $0x13C00, s2  }
0xa: {  	s1 =	rddreg [dreg:$0x0];
	s9 =	sand.u32 $0x380, s26;
	_ =	strace $0x8000004A  }
0xb: {  	s30 =	sshrl.u32 s5, $0x1;
	s6 =	sshll.u32 s6, $0xB;
	s8 =	sor.u32 s9, s8  }
0xc: {  	s26 =	simm.s32 $0x6580;
	s6 =	sadd.s32 s6, s7;
	s8 =	sshrl.u32 s8, $0x3  }
0xd: {  	s31 =	sshrl.u32 s10, $0x2;
	s6 =	sadd.s32 $0x2400, s6;
	s8 =	sadd.s32 s8, s7  }
0xe: {  	s9 =	ssub.s32 s5, s30;
	s7 =	sadd.s32 s29, s7;
	s5 =	sadd.s32 $0x12400, s8  }
0xf: {  	s24 =	sadd.s32 $0x1C200, s7;
	s7 =	sadd.s32 s31, s3;
	s8 =	smax.u32 s9, $0x1  }
0x10: {  	s9 =	sadd.s32 $0x2800, s7;
	s10 =	sadd.s32 $0x5000, s7;
	s11 =	sadd.s32 $0x7800, s7  }
0x11: {  	s12 =	sadd.s32 $0xA000, s7;
	s13 =	sadd.s32 $0xC800, s7;
	s14 =	sadd.s32 $0xF000, s7  }
0x12: {  	v0 =	vimm.f32 $0.0e+00;
	s15 =	sadd.s32 $0x11800, s7;
	s24 =	sadd.s32 s25, s24;
	s25 =	simm.s32 $0x2  }
.LBB2_1:
0x13: {  	[tilespmem:s4], [sflag:$0x3] =	stream.strided.gather [hbm4b:s5+s16], $0x2780, s17, s16, $0x38;
	[tilespmem:$0x1F780] =	vst v63  }
0x14: {  	_ =	swait.ge [sflag:s18], $0x2780  }
0x15: {  	[sflag:s18] =	ssyncset.done $0x0  }
0x16: {  	[sflag:s18] =	ssyncadd.s32 $0xFFFFD880  }
0x17: {  	[tilespmem:s19], [sflag:$0x3] =	stream.linear.gather [hbm4b:s6+s4], $0x3E80, $0x38;
	[tilespmem:$0x1F780] =	vst v63  }
0x18: {  	_ =	swait.ge [sflag:s18], $0x3E80  }
0x19: {  	[sflag:s18] =	ssyncset.done $0x0  }
0x1a: {  	s29 =	simm.s32 $0x0;
	s30 =	simm.s32 $0x200;
	[sflag:s18] =	ssyncadd.s32 $0xFFFFC180  }
.LBB2_2:
0x1b: {  	p0 =	sne.s32 s30, $0x9E00;
	[tilespmem:s29+$0x67F0] =	vst v0  }
0x1c: {  	[tilespmem:s29+$0x6780] =	vst v0  }
0x1d: {  	[tilespmem:s29+$0x6790] =	vst v0  }
.Ltmp0:
0x1e: {  	[tilespmem:s29+$0x67A0] =	vst v0;
	(pc) =	sbr.rel @p0 .LBB2_2-.Ltmp0, $4  }
0x1f: {  	[tilespmem:s29+$0x67B0] =	vst v0  }
0x20: {  	[tilespmem:s29+$0x67C0] =	vst v0  }
0x21: {  	[tilespmem:s29+$0x67D0] =	vst v0  }
0x22: {  	[tilespmem:s29+$0x67E0] =	vst v0;
	s29 =	sshra.s32 s30, $0x2;
	s30 =	sadd.s32 $0x200, s30  }
0x23: {  	[tilespmem:s29+$0x67F0] =	vst v0  }
0x24: {  	[tilespmem:s29+$0x6780] =	vst v0  }
0x25: {  	[tilespmem:s29+$0x6790] =	vst v0  }
0x26: {  	[tilespmem:s29+$0x67A0] =	vst v0  }
0x27: {  	[tilespmem:s29+$0x67B0] =	vst v0  }
0x28: {  	[tilespmem:s29+$0x67C0] =	vst v0  }
0x29: {  	[tilespmem:s29+$0x67D0] =	vst v0  }
0x2a: {  	[tilespmem:s29+$0x67E0] =	vst v0  }
0x2b: {  	[spmem:s7] =	stream.linear.scatter [tilespmem:s20], [sflag:$0x3], $0x2800, $0x38;
	[tilespmem:$0x1F780] =	vst v63  }
0x2c: {  	_ =	swait.ge [sflag:s18], $0x2800  }
0x2d: {  	[sflag:s18] =	ssyncset.done $0x0  }
0x2e: {  	[sflag:s18] =	ssyncadd.s32 $0xFFFFD800  }
0x2f: {  	[spmem:s9] =	stream.linear.scatter [tilespmem:s20], [sflag:$0x3], $0x2800, $0x38;
	[tilespmem:$0x1F780] =	vst v63  }
0x30: {  	_ =	swait.ge [sflag:s18], $0x2800  }
0x31: {  	[sflag:s18] =	ssyncset.done $0x0  }
0x32: {  	[sflag:s18] =	ssyncadd.s32 $0xFFFFD800  }
0x33: {  	[spmem:s10] =	stream.linear.scatter [tilespmem:s20], [sflag:$0x3], $0x2800, $0x38;
	[tilespmem:$0x1F780] =	vst v63  }
0x34: {  	_ =	swait.ge [sflag:s18], $0x2800  }
0x35: {  	[sflag:s18] =	ssyncset.done $0x0  }
0x36: {  	[sflag:s18] =	ssyncadd.s32 $0xFFFFD800  }
0x37: {  	[spmem:s11] =	stream.linear.scatter [tilespmem:s20], [sflag:$0x3], $0x2800, $0x38;
	[tilespmem:$0x1F780] =	vst v63  }
0x38: {  	_ =	swait.ge [sflag:s18], $0x2800  }
0x39: {  	[sflag:s18] =	ssyncset.done $0x0  }
0x3a: {  	[sflag:s18] =	ssyncadd.s32 $0xFFFFD800  }
0x3b: {  	[spmem:s12] =	stream.linear.scatter [tilespmem:s20], [sflag:$0x3], $0x2800, $0x38;
	[tilespmem:$0x1F780] =	vst v63  }
0x3c: {  	_ =	swait.ge [sflag:s18], $0x2800  }
0x3d: {  	[sflag:s18] =	ssyncset.done $0x0  }
0x3e: {  	[sflag:s18] =	ssyncadd.s32 $0xFFFFD800  }
0x3f: {  	[spmem:s13] =	stream.linear.scatter [tilespmem:s20], [sflag:$0x3], $0x2800, $0x38;
	[tilespmem:$0x1F780] =	vst v63  }
0x40: {  	_ =	swait.ge [sflag:s18], $0x2800  }
0x41: {  	[sflag:s18] =	ssyncset.done $0x0  }
0x42: {  	[sflag:s18] =	ssyncadd.s32 $0xFFFFD800  }
0x43: {  	[spmem:s14] =	stream.linear.scatter [tilespmem:s20], [sflag:$0x3], $0x2800, $0x38;
	[tilespmem:$0x1F780] =	vst v63  }
0x44: {  	_ =	swait.ge [sflag:s18], $0x2800  }
0x45: {  	[sflag:s18] =	ssyncset.done $0x0  }
0x46: {  	[sflag:s18] =	ssyncadd.s32 $0xFFFFD800  }
0x47: {  	[spmem:s15] =	stream.linear.scatter [tilespmem:s20], [sflag:$0x3], $0x2800, $0x38;
	[tilespmem:$0x1F780] =	vst v63  }
0x48: {  	_ =	swait.ge [sflag:s18], $0x2800  }
0x49: {  	[sflag:s18] =	ssyncset.done $0x0  }
0x4a: {  	[sflag:s18] =	ssyncadd.s32 $0xFFFFD800  }
0x4b: {  	s29 =	simm.s32 $0x0;
	[bflag:$0x0] =	sbarrier.arrive $0xFFFF  }
0x4c: {  	[tilespmem:s20], [sflag:$0x1] =	stream.indirect.gather [hbm4b:s1+s21], $0x80, s29, s21, $0xb8;
	[tilespmem:$0x1F780] =	vst v63  }
0x4d: {  	_ =	swait.ge [sflag:s22], $0x2800  }
0x4e: {  	[sflag:s22] =	ssyncset.done $0x0  }
0x4f: {  	s29 =	simm.s32 $0x50;
	[sflag:s22] =	ssyncadd.s32 $0xFFFFD800  }
0x50: {  	[tilespmem:s23], [sflag:$0x2] =	stream.indirect.gather [hbm4b:s1+s21], $0x80, s29, s21, $0xb8;
	[tilespmem:$0x1F780] =	vst v63  }
0x51: {  	s29 =	simm.s32 $0x2780  }
0x52: {  	[spmem:s3] =	stream.indirect.scatter.add.f32 [tilespmem:s20], [sflag:$0x3], $0x80, s29, s21, $0xb8;
	[tilespmem:$0x1F780] =	vst v63  }
0x53: {  	_ =	swait.ge [sflag:s18], $0x2800  }
0x54: {  	[sflag:s18] =	ssyncset.done $0x0  }
0x55: {  	[sflag:s18] =	ssyncadd.s32 $0xFFFFD800  }
0x56: {  	_ =	swait.ge [sflag:s25], $0x2800  }
0x57: {  	[sflag:s25] =	ssyncset.done $0x0  }
0x58: {  	s29 =	simm.s32 $0xA0;
	[sflag:s25] =	ssyncadd.s32 $0xFFFFD800  }
0x59: {  	[tilespmem:s20], [sflag:$0x1] =	stream.indirect.gather [hbm4b:s1+s21], $0x80, s29, s21, $0xb8;
	[tilespmem:$0x1F780] =	vst v63  }
0x5a: {  	s30 =	simm.s32 $0x2800  }
0x5b: {  	[spmem:s3] =	stream.indirect.scatter.add.f32 [tilespmem:s23], [sflag:$0x3], $0x80, s30, s21, $0xb8;
	[tilespmem:$0x1F780] =	vst v63  }
0x5c: {  	_ =	swait.ge [sflag:s18], $0x2800  }
0x5d: {  	s30 =	simm.s32 $0x400;
	[sflag:s18] =	ssyncset.done $0x0  }
.LBB2_4:
0x5e: {  	p0 =	sne.s32 s30, $0xF400;
	[sflag:s18] =	ssyncadd.s32 $0xFFFFD800;
	s29 =	sadd.s32 $0xA0, s29  }
0x5f: {  	s31 =	smov.u32 s30;
	s30 =	sadd.s32 $0x400, s30  }
0x60: {  	_ =	swait.ge [sflag:s22], $0x2800  }
0x61: {  	[sflag:s22] =	ssyncset.done $0x0  }
0x62: {  	s2 =	sadd.s32 $0xFFFFFFB0, s29;
	s31 =	sshra.s32 s31, $0x2;
	[sflag:s22] =	ssyncadd.s32 $0xFFFFD800  }
0x63: {  	[tilespmem:s23], [sflag:$0x2] =	stream.indirect.gather [hbm4b:s1+s21], $0x80, s2, s21, $0xb8;
	[tilespmem:$0x1F780] =	vst v63  }
0x64: {  	s2 =	sadd.s32 $0x2780, s31  }
0x65: {  	[spmem:s3] =	stream.indirect.scatter.add.f32 [tilespmem:s20], [sflag:$0x3], $0x80, s2, s21, $0xb8;
	[tilespmem:$0x1F780] =	vst v63  }
0x66: {  	_ =	swait.ge [sflag:s18], $0x2800  }
0x67: {  	[sflag:s18] =	ssyncset.done $0x0  }
0x68: {  	[sflag:s18] =	ssyncadd.s32 $0xFFFFD800  }
0x69: {  	_ =	swait.ge [sflag:s25], $0x2800  }
0x6a: {  	[sflag:s25] =	ssyncset.done $0x0  }
0x6b: {  	[sflag:s25] =	ssyncadd.s32 $0xFFFFD800  }
0x6c: {  	[tilespmem:s20], [sflag:$0x1] =	stream.indirect.gather [hbm4b:s1+s21], $0x80, s29, s21, $0xb8;
	[tilespmem:$0x1F780] =	vst v63  }
.Ltmp1:
0x6d: {  	_ = 	snop;
	(pc) =	sbr.rel @p0 .LBB2_4-.Ltmp1, $4  }
0x6e: {  	s2 =	sadd.s32 $0x2800, s31  }
0x6f: {  	[spmem:s3] =	stream.indirect.scatter.add.f32 [tilespmem:s23], [sflag:$0x3], $0x80, s2, s21, $0xb8;
	[tilespmem:$0x1F780] =	vst v63  }
0x70: {  	_ =	swait.ge [sflag:s18], $0x2800  }
0x71: {  	[sflag:s18] =	ssyncset.done $0x0  }
0x72: {  	[sflag:s18] =	ssyncadd.s32 $0xFFFFD800  }
0x73: {  	_ =	swait.ge [sflag:s22], $0x2800  }
0x74: {  	[sflag:s22] =	ssyncset.done $0x0  }
0x75: {  	[sflag:s22] =	ssyncadd.s32 $0xFFFFD800  }
0x76: {  	[spmem:s3] =	stream.indirect.scatter.add.f32 [tilespmem:s20], [sflag:$0x3], $0x80, s26, s21, $0xb8;
	[tilespmem:$0x1F780] =	vst v63  }
0x77: {  	_ =	swait.ge [sflag:s18], $0x2800  }
0x78: {  	s2 =	sshll.u32 s0, $0x6;
	s28 =	sadd.s32 $0x1, s28;
	[sflag:s18] =	ssyncset.done $0x0  }
0x79: {  	s29 =	sshrl.u32 s7, $0x3;
	p0 =	sne.s32 s28, s8;
	[sflag:s18] =	ssyncadd.s32 $0xFFFFD800  }
.Ltmp2:
0x7a: {  	s2 =	sor.u32 $0x1C03, s2;
	[bflag:$0x0] =	sbarrier.arrive $0xFFFF;
	(pc) =	sbr.rel @p0 .LBB2_1-.Ltmp2, $4  }
0x7b: {  	[hbm:s24], [sflag:s2] =	dma.local [spmem:s29], $0x2800  }
0x7c: {  	_ =	swait.ge [sflag:s18], $0x2800  }
0x7d: {  	[sflag:s18] =	ssyncset.done $0x0  }
0x7e: {  	[sflag:s18] =	ssyncadd.s32 $0xFFFFD800  }
0x7f: {  	_ =	sfence.sel $0x180000  }
0x80: {  	[bflag:$0x0] =	sbarrier.arrive $0xFFFF  }
0x81: {  	_ =	strace $0x9000004A  }
0x82: {  	[bflag:$0x2] =	sbarrier.arrive $0xFFFF  }
0x83: {  	p0 =	sne.s32 s0, $0x0;
	s0 =	rddreg [dreg:$0x3]  }
0x84: {  	s0 =	sadd.s32 @!p0 $0x100000, s0  }
0x85: {  	[sflag:s0] =	ssyncadd.tile.s32 @!p0 $0x1;
	_ =	shalt  }
.Lfunc_end2:
_tile_overlayer_lowered:
.L_overlay_start_2:
0x86: {  	(tag) =	ssettag $0x2  }
0x87: {  	s0 =	rddreg [dreg:$0x0];
	s2 =	stileid.u32  }
0x88: {  	s1 =	rddreg [dreg:$0x1];
	p0 =	sne.s32 s2, $0x0  }
0x89: {  	s3 =	rddreg [dreg:$0x2];
	[bflag:$0x3] =	sbarrier.arrive $0xFFFF;
	s2 =	simm.s32 @!p0 $0x1C03  }
0x8a: {  	[timem:s3], [sflag:s2] =	dma.local @!p0 [hbm:s0], s1  }
0x8b: {  	s0 =	simm.s32 @!p0 $0x3  }
0x8c: {  	_ =	swait.ge @!p0 [sflag:s0], s1  }
0x8d: {  	s1 =	ssub.s32 @!p0 $0x0, s1;
	[sflag:s0] =	ssyncset.done @!p0 $0x0  }
0x8e: {  	[sflag:s0] =	ssyncadd.s32 @!p0 s1  }
0x8f: {  	[bflag:$0x3] =	sbarrier.arrive $0xFFFF  }
0x90: {  	_ =	shalt  }

// kernel: kernel.14.cloned.1.call-start
scs
__scs_entry_jumppad:
0x0: {  	(pc) =	sbr.rel $0x88, $3  }
0x1: {  	(tag) =	ssettag $0x0;
	lr =	simm.s32 $0x1  }
0x2: {  	[smem:$0x3F9A] =	sst lr;
	_ =	strace $0xD0000000  }
0x3: {  	_ = 	snop  }
0x4: {  	_ = 	snop  }
0x5: {  	_ = 	snop  }
0x6: {  	_ = 	snop  }
0x7: {  	_ = 	snop  }
__scs_overlays_trampoline_lowered:
0x8: {  	[smem:$0x3FA9] =	sst s0  }
0x9: {  	[smem:$0x3FAA] =	sst s1  }
0xa: {  	[smem:$0x3FAB] =	sst s2  }
0xb: {  	[smem:$0x3FAC] =	sst s3  }
0xc: {  	[smem:$0x3FAD] =	sst s4  }
0xd: {  	[smem:$0x3FAE] =	sst s5  }
0xe: {  	[smem:$0x3FAF] =	sst s6  }
0xf: {  	[smem:$0x3FB0] =	sst s7  }
0x10: {  	[smem:$0x3FB1] =	sst s8  }
0x11: {  	[smem:$0x3FB2] =	sst s9;
	s0 =	simm.s32 @!p0 $0x0  }
0x12: {  	s1 =	sld [smem:$0x3F98];
	s0 =	simm.s32 @p0 $0x1  }
0x13: {  	[smem:$0x3FB3] =	sst s0;
	s0 =	simm.s32 @!p1 $0x0  }
0x14: {  	s2 =	sld [smem:$0x3F97];
	s0 =	simm.s32 @p1 $0x1  }
0x15: {  	[smem:$0x3FB4] =	sst s0;
	s0 =	simm.s32 @!p2 $0x0  }
0x16: {  	s3 =	sld [smem:$0x3FDB];
	s0 =	simm.s32 @p2 $0x1  }
0x17: {  	s4 =	simm.s32 $0x1BF5;
	[smem:$0x3FB6] =	sst s0  }
0x18: {  	s0 =	sld [smem:$0x3F99];
	_ =	swait.ge [sflag:s4], $0x0  }
0x19: {  	s7 =	sld [smem:$0x3F9A]  }
0x1a: {  	s8 =	sadd.s32 $0xFFFFE003, lr  }
0x1b: {  	s9 =	sadd.s32 $0xFFFFFEF7, lr;
	s5 =	simm.s32 $0xFFFFFFFF;
	p2 =	slt.u32 s8, $0xFFFFF086  }
0x1c: {  	p1 =	slt.u32 s9, $0xF7A;
	s5 =	simm.s32 @!p2 $0x0  }
0x1d: {  	s5 =	simm.s32 @p1 $0x1;
	p0 =	seq.s32 s7, s2  }
0x1e: {  	s7 =	smul.u32 @!p0 $0xF7A, s2;
	p2 =	seq.s32 @!p0 s5, $0x0  }
0x1f: {  	s9 =	smul.u32 $0xF7A, s1;
	s8 =	simm.s32 @!p0 $0x1BF5;
	p2 =	por !p2, p0  }
0x20: {  	[sflag:s8] =	ssyncset.s32 @!p0 $0xFFFFF086;
	s6 =	sadd.s32 @!p0 s3, s7;
	s7 =	simm.s32 @!p0 $0x108  }
0x21: {  	s3 =	sadd.s32 s3, s9;
	s6 =	sadd.s32 @!p0 $0x88, s6;
	s7 =	simm.s32 @p2 $0x1082  }
0x22: {  	[simem:s7], [sflag:s8] =	dma.local @!p0 [hbm:s6], $0xF7A  }
0x23: {  	s9 =	sor.u32 $0xD0000000, s2;
	s6 =	simm.s32 $0x108;
	_ =	swait.ge @!p0 [sflag:s8], $0x0  }
0x24: {  	s3 =	sadd.s32 $0x88, s3;
	s6 =	simm.s32 @!p1 $0x1082;
	[sflag:s4] =	ssyncset.s32 $0xFFFFF086  }
0x25: {  	[simem:s6], [sflag:s4] =	dma.local [hbm:s3], $0xF7A  }
0x26: {  	[smem:$0x3F9A] =	sst s1;
	(tag) =	ssettag s2;
	_ =	strace s9  }
0x27: {  	s1 =	sld [smem:$0x3FAA]  }
0x28: {  	s2 =	sld [smem:$0x3FAB]  }
0x29: {  	s4 =	sld [smem:$0x3FAD]  }
0x2a: {  	p0 =	seq.s32 s5, $0x0;
	s5 =	sld [smem:$0x3FAE]  }
0x2b: {  	s6 =	sld [smem:$0x3FAF]  }
0x2c: {  	s7 =	sld [smem:$0x3FB0]  }
0x2d: {  	s3 =	simm.s32 $0x108;
	s8 =	sld [smem:$0x3FB1]  }
0x2e: {  	s3 =	simm.s32 @!p0 $0x1082;
	s9 =	sld [smem:$0x3FB2]  }
0x2f: {  	lr =	sadd.s32 s0, s3;
	s0 =	sld [smem:$0x3FA9]  }
0x30: {  	s3 =	sld [smem:$0x3FAC]  }
0x31: {  	[smem:$0x3FB5] =	sst s10  }
0x32: {  	s10 =	sld [smem:$0x3FB3];
	_ =	sdelay $0x3  }
0x33: {  	p0 =	seq.s32 s10, $0x1;
	s10 =	sld [smem:$0x3FB5];
	_ =	sdelay $0x3  }
0x34: {  	[smem:$0x3FB5] =	sst s10  }
0x35: {  	s10 =	sld [smem:$0x3FB4];
	_ =	sdelay $0x3  }
0x36: {  	p1 =	seq.s32 s10, $0x1;
	s10 =	sld [smem:$0x3FB5];
	_ =	sdelay $0x3  }
0x37: {  	[smem:$0x3FB5] =	sst s10  }
0x38: {  	s10 =	sld [smem:$0x3FB6]  }
0x39: {  	_ = 	snop;
	(pc) =	sbr.ind lr, $3  }
0x3a: {  	_ = 	snop  }
0x3b: {  	_ = 	snop  }
0x3c: {  	p2 =	seq.s32 s10, $0x1;
	s10 =	sld [smem:$0x3FB5]  }
0x3d: {  	_ =	shalt  }
0x3e: {  	_ =	shalt  }
0x3f: {  	_ =	shalt  }
0x40: {  	_ =	shalt  }
0x41: {  	_ =	shalt  }
0x42: {  	_ =	shalt  }
0x43: {  	_ =	shalt  }
0x44: {  	_ =	shalt  }
0x45: {  	_ =	shalt  }
0x46: {  	_ =	shalt  }
0x47: {  	_ =	shalt  }
0x48: {  	_ =	shalt  }
0x49: {  	_ =	shalt  }
0x4a: {  	_ =	shalt  }
0x4b: {  	_ =	shalt  }
0x4c: {  	_ =	shalt  }
0x4d: {  	_ =	shalt  }
0x4e: {  	_ =	shalt  }
0x4f: {  	_ =	shalt  }
0x50: {  	_ =	shalt  }
0x51: {  	_ =	shalt  }
0x52: {  	_ =	shalt  }
0x53: {  	_ =	shalt  }
0x54: {  	_ =	shalt  }
0x55: {  	_ =	shalt  }
0x56: {  	_ =	shalt  }
0x57: {  	_ =	shalt  }
0x58: {  	_ =	shalt  }
0x59: {  	_ =	shalt  }
0x5a: {  	_ =	shalt  }
0x5b: {  	_ =	shalt  }
0x5c: {  	_ =	shalt  }
0x5d: {  	_ =	shalt  }
0x5e: {  	_ =	shalt  }
0x5f: {  	_ =	shalt  }
0x60: {  	_ =	shalt  }
0x61: {  	_ =	shalt  }
0x62: {  	_ =	shalt  }
0x63: {  	_ =	shalt  }
0x64: {  	_ =	shalt  }
0x65: {  	_ =	shalt  }
0x66: {  	_ =	shalt  }
0x67: {  	_ =	shalt  }
0x68: {  	_ =	shalt  }
0x69: {  	_ =	shalt  }
0x6a: {  	_ =	shalt  }
0x6b: {  	_ =	shalt  }
0x6c: {  	_ =	shalt  }
0x6d: {  	_ =	shalt  }
0x6e: {  	_ =	shalt  }
0x6f: {  	_ =	shalt  }
0x70: {  	_ =	shalt  }
0x71: {  	_ =	shalt  }
0x72: {  	_ =	shalt  }
0x73: {  	_ =	shalt  }
0x74: {  	_ =	shalt  }
0x75: {  	_ =	shalt  }
0x76: {  	_ =	shalt  }
0x77: {  	_ =	shalt  }
0x78: {  	_ =	shalt  }
0x79: {  	_ =	shalt  }
0x7a: {  	_ =	shalt  }
0x7b: {  	_ =	shalt  }
0x7c: {  	_ =	shalt  }
0x7d: {  	_ =	shalt  }
0x7e: {  	_ =	shalt  }
0x7f: {  	_ =	shalt  }
0x80: {  	_ =	shalt  }
0x81: {  	_ =	shalt  }
0x82: {  	_ =	shalt  }
0x83: {  	_ =	shalt  }
0x84: {  	_ =	shalt  }
0x85: {  	_ =	shalt  }
0x86: {  	_ =	shalt  }
0x87: {  	_ =	shalt  }
.Lfunc_end0:
.L_simem_size_0:
called_computation.2_lowered:
.L_overlay_start_0:
0x88: {  	s2 =	sld [smem:$0x3FD9]  }
0x89: {  	s3 =	sld [smem:$0x3FFE];
	_ =	sdelay $0x1  }
0x8a: {  	s1 =	srdreg.scid  }
0x8b: {  	s0 =	sand.u32 $0x1, s1  }
0x8c: {  	s14 =	sshll.u32 s0, $0xA;
	s2 =	sadd.s32 s3, s2  }
0x8d: {  	s2 =	sadd.s32 s2, s14  }
0x8e: {  	[smem:$0x3FC1] =	sst s2  }
0x8f: {  	_ = 	snop  }
0x90: {  	s2 =	sld [smem:$0x3FD0];
	_ =	sdelay $0x2  }
0x91: {  	s15 =	simm.s32 $0xA;
	s4 =	simm.s32 $0x10  }
0x92: {  	[smem:s4], [sflag:s15] =	dma.local [hbm:s2], $0x1  }
0x93: {  	_ =	swait.eq [sflag:s15], $0x1  }
0x94: {  	[sflag:s15] =	ssyncset.done $0x0  }
0x95: {  	[sflag:s15] =	ssyncadd.s32 $0xFFFFFFFF  }
0x96: {  	s16 =	sld [smem:$0x10];
	(tm) =	ssettm $0x1  }
0x97: {  	s17 =	sld [smem:$0x3FFB];
	_ =	sdelay $0x3  }
0x98: {  	_ =	strace s17  }
0x99: {  	s3 =	sld [smem:$0x3FFC];
	_ =	sdelay $0x3  }
0x9a: {  	_ =	strace s3  }
0x9b: {  	s3 =	sld [smem:$0x3FFD];
	_ =	sdelay $0x3  }
0x9c: {  	_ =	strace s3  }
0x9d: {  	_ =	strace $0x8FFFFFFF  }
0x9e: {  	s18 =	sld [smem:$0x3FDB];
	_ =	sdelay $0x1  }
0x9f: {  	s19 =	simm.s32 $_scs_section_size  }
0xa0: {  	s5 =	simm.s32 $_size__tile_overlayer_lowered;
	s6 =	simm.s32 $_tile_overlayer_lowered  }
0xa1: {  	s22 =	simm.s32 $0x1BFF;
	s21 =	sshll.u32 s6, $0x1;
	s3 =	sadd.s32 s19, s18  }
0xa2: {  	s7 =	simm.s32 $0x0;
	s20 =	sshll.u32 s5, $0x1;
	s5 =	sadd.s32 s21, s3  }
0xa3: {  	[timem:s7], [sflag:s22] =	dma.local [hbm:s5], s20  }
0xa4: {  	_ =	swait.ge [sflag:s22], s20  }
0xa5: {  	s4 =	ssub.s32 $0x0, s20;
	[sflag:s22] =	ssyncset.done $0x0  }
0xa6: {  	[sflag:s22] =	ssyncadd.s32 s4;
	_ =	sdelay $0x1  }
0xa7: {  	s23 =	simm.s32 $0x1B8B  }
0xa8: {  	_ =	swait.ge [sflag:s23], $0x1  }
0xa9: {  	[sflag:s23] =	ssyncset.done $0x0  }
0xaa: {  	s25 =	simm.s32 $0x1B8E;
	s24 =	sld [smem:$0x3FFE];
	[sflag:s23] =	ssyncadd.s32 $0xFFFFFFFF  }
0xab: {  	s26 =	simm.s32 $execute0_lowered;
	[smem:$0x3FD2] =	sst s25  }
0xac: {  	s5 =	sshll.u32 s26, $0x1;
	_ =	strace $0x8000004C;
	[dreg:$0x1] =	wrdreg $0xFFFFFFFF  }
0xad: {  	s28 =	simm.s32 $_size_execute0_lowered;
	s3 =	sadd.s32 s3, s5;
	[dreg:$0x0] =	wrdreg $0x0  }
0xae: {  	s5 =	sshll.u32 s28, $0x1;
	[dreg:$0x2] =	wrdreg s3  }
0xaf: {  	[dreg:$0x3] =	wrdreg s5  }
0xb0: {  	[dreg:$0x4] =	wrdreg $0xC0  }
0xb1: {  	_ =	task [dreg:s7], $0x5FFFF  }
0xb2: {  	[dreg:$0x1] =	wrdreg $0xFFFFFFFF  }
0xb3: {  	[dreg:$0x0] =	wrdreg $0x60  }
0xb4: {  	[dreg:$0x2] =	wrdreg s16  }
0xb5: {  	[dreg:$0x3] =	wrdreg s24  }
0xb6: {  	[dreg:$0x4] =	wrdreg $0xB7800  }
0xb7: {  	[dreg:$0x5] =	wrdreg $0x9  }
0xb8: {  	_ =	task.clear_ibuf [dreg:s7], $0x6FFFF;
	_ =	strace $0x9000004C  }
0xb9: {  	s29 =	simm.s32 $0x9;
	_ =	strace $0x8000004E  }
0xba: {  	_ =	swait.ge [sflag:s29], $0x1  }
0xbb: {  	[sflag:s29] =	ssyncadd.s32 $0xFFFFFFFF  }
0xbc: {  	_ =	strace $0x9000004E  }
0xbd: {  	_ =	sfence  }
0xbe: {  	s30 =	sld [smem:$0x0];
	_ =	sdelay $0x2  }
0xbf: {  	s31 =	sshll.u32 s1, $0xD;
	s1 =	sshrl.u32 s1, $0x2  }
0xc0: {  	s3 =	sand.u32 $0x4000, s31;
	s1 =	sadd.s32 s1, s30  }
0xc1: {  	s0 =	sor.u32 s3, s0;
	s1 =	sshll.u32 s1, $0x11  }
0xc2: {  	s0 =	sor.u32 s1, s0  }
0xc3: {  	s0 =	sadd.s32 $0x8F2B, s0  }
0xc4: {  	[sflag:s0] =	ssyncadd.remote.s32 $0x1  }
0xc5: {  	_ =	sfence.sel $0xFFFF  }
0xc6: {  	[dreg:$0x0] =	wrdreg $0xFFFFFFFF;
	(pc) =	sbr.abs _section_cstart, $3  }
0xc7: {  	[dreg:$0x1] =	wrdreg $0xFFFFFFFF  }
0xc8: {  	_ =	task.clear_ibuf [dreg:s7], $0x2FFFF;
	_ =	strace $0x9FFFFFFF  }
0xc9: {  	(tm) =	ssettm $0x7FFFFFFF  }
tec
execute0_lowered:
.L_overlay_start_1:
0x0: {  	(tag) =	ssettag $0x1  }
0x1: {  	s7 =	rddreg [dreg:$0x1]  }
0x2: {  	s0 =	srdreg.scid;
	s3 =	rddreg [dreg:$0x2];
	s4 =	simm.s32 $0x0  }
0x3: {  	s16 =	simm.s32 $0x80;
	s17 =	simm.s32 $0x400;
	s18 =	simm.s32 $0x3  }
0x4: {  	s19 =	simm.s32 $0x2780;
	s20 =	simm.s32 $0x6780;
	s21 =	simm.s32 $0x50  }
0x5: {  	s22 =	simm.s32 $0x1;
	s23 =	simm.s32 $0x8F80;
	s5 =	sand.u32 $0x1, s0  }
0x6: {  	s0 =	stileid.u32;
	s1 =	sshll.u32 s5, $0x4;
	s29 =	smul.u32 $0x28000, s5  }
0x7: {  	s28 =	simm.s32 $0x0;
	s10 =	smul.u32 $0x50000, s0;
	s6 =	sor.u32 s0, s1  }
0x8: {  	[smem:$0x7FF] =	sst s4;
	s25 =	smul.u32 $0x2800, s0;
	s2 =	sshrl.u32 s6, $0x3  }
0x9: {  	s26 =	sshll.u32 s0, $0x7;
	s5 =	ssub.s32 $0x2, s5;
	s8 =	smul.u32 $0x13C00, s2  }
0xa: {  	s1 =	rddreg [dreg:$0x0];
	s9 =	sand.u32 $0x380, s26;
	_ =	strace $0x8000004D  }
0xb: {  	s30 =	sshrl.u32 s5, $0x1;
	s6 =	sshll.u32 s6, $0xB;
	s8 =	sor.u32 s9, s8  }
0xc: {  	s26 =	simm.s32 $0x6580;
	s6 =	sadd.s32 s6, s7;
	s8 =	sshrl.u32 s8, $0x3  }
0xd: {  	s31 =	sshrl.u32 s10, $0x2;
	s6 =	sadd.s32 $0x2400, s6;
	s8 =	sadd.s32 s8, s7  }
0xe: {  	s9 =	ssub.s32 s5, s30;
	s7 =	sadd.s32 s29, s7;
	s5 =	sadd.s32 $0x12400, s8  }
0xf: {  	s24 =	sadd.s32 $0x1C200, s7;
	s7 =	sadd.s32 s31, s3;
	s8 =	smax.u32 s9, $0x1  }
0x10: {  	s9 =	sadd.s32 $0x2800, s7;
	s10 =	sadd.s32 $0x5000, s7;
	s11 =	sadd.s32 $0x7800, s7  }
0x11: {  	s12 =	sadd.s32 $0xA000, s7;
	s13 =	sadd.s32 $0xC800, s7;
	s14 =	sadd.s32 $0xF000, s7  }
0x12: {  	v0 =	vimm.f32 $0.0e+00;
	s15 =	sadd.s32 $0x11800, s7;
	s24 =	sadd.s32 s25, s24;
	s25 =	simm.s32 $0x2  }
.LBB2_1:
0x13: {  	[tilespmem:s4], [sflag:$0x3] =	stream.strided.gather [hbm4b:s5+s16], $0x2780, s17, s16, $0x38;
	[tilespmem:$0x1F780] =	vst v63  }
0x14: {  	_ =	swait.ge [sflag:s18], $0x2780  }
0x15: {  	[sflag:s18] =	ssyncset.done $0x0  }
0x16: {  	[sflag:s18] =	ssyncadd.s32 $0xFFFFD880  }
0x17: {  	[tilespmem:s19], [sflag:$0x3] =	stream.linear.gather [hbm4b:s6+s4], $0x3E80, $0x38;
	[tilespmem:$0x1F780] =	vst v63  }
0x18: {  	_ =	swait.ge [sflag:s18], $0x3E80  }
0x19: {  	[sflag:s18] =	ssyncset.done $0x0  }
0x1a: {  	s29 =	simm.s32 $0x0;
	s30 =	simm.s32 $0x200;
	[sflag:s18] =	ssyncadd.s32 $0xFFFFC180  }
.LBB2_2:
0x1b: {  	p0 =	sne.s32 s30, $0x9E00;
	[tilespmem:s29+$0x67F0] =	vst v0  }
0x1c: {  	[tilespmem:s29+$0x6780] =	vst v0  }
0x1d: {  	[tilespmem:s29+$0x6790] =	vst v0  }
.Ltmp0:
0x1e: {  	[tilespmem:s29+$0x67A0] =	vst v0;
	(pc) =	sbr.rel @p0 .LBB2_2-.Ltmp0, $4  }
0x1f: {  	[tilespmem:s29+$0x67B0] =	vst v0  }
0x20: {  	[tilespmem:s29+$0x67C0] =	vst v0  }
0x21: {  	[tilespmem:s29+$0x67D0] =	vst v0  }
0x22: {  	[tilespmem:s29+$0x67E0] =	vst v0;
	s29 =	sshra.s32 s30, $0x2;
	s30 =	sadd.s32 $0x200, s30  }
0x23: {  	[tilespmem:s29+$0x67F0] =	vst v0  }
0x24: {  	[tilespmem:s29+$0x6780] =	vst v0  }
0x25: {  	[tilespmem:s29+$0x6790] =	vst v0  }
0x26: {  	[tilespmem:s29+$0x67A0] =	vst v0  }
0x27: {  	[tilespmem:s29+$0x67B0] =	vst v0  }
0x28: {  	[tilespmem:s29+$0x67C0] =	vst v0  }
0x29: {  	[tilespmem:s29+$0x67D0] =	vst v0  }
0x2a: {  	[tilespmem:s29+$0x67E0] =	vst v0  }
0x2b: {  	[spmem:s7] =	stream.linear.scatter [tilespmem:s20], [sflag:$0x3], $0x2800, $0x38;
	[tilespmem:$0x1F780] =	vst v63  }
0x2c: {  	_ =	swait.ge [sflag:s18], $0x2800  }
0x2d: {  	[sflag:s18] =	ssyncset.done $0x0  }
0x2e: {  	[sflag:s18] =	ssyncadd.s32 $0xFFFFD800  }
0x2f: {  	[spmem:s9] =	stream.linear.scatter [tilespmem:s20], [sflag:$0x3], $0x2800, $0x38;
	[tilespmem:$0x1F780] =	vst v63  }
0x30: {  	_ =	swait.ge [sflag:s18], $0x2800  }
0x31: {  	[sflag:s18] =	ssyncset.done $0x0  }
0x32: {  	[sflag:s18] =	ssyncadd.s32 $0xFFFFD800  }
0x33: {  	[spmem:s10] =	stream.linear.scatter [tilespmem:s20], [sflag:$0x3], $0x2800, $0x38;
	[tilespmem:$0x1F780] =	vst v63  }
0x34: {  	_ =	swait.ge [sflag:s18], $0x2800  }
0x35: {  	[sflag:s18] =	ssyncset.done $0x0  }
0x36: {  	[sflag:s18] =	ssyncadd.s32 $0xFFFFD800  }
0x37: {  	[spmem:s11] =	stream.linear.scatter [tilespmem:s20], [sflag:$0x3], $0x2800, $0x38;
	[tilespmem:$0x1F780] =	vst v63  }
0x38: {  	_ =	swait.ge [sflag:s18], $0x2800  }
0x39: {  	[sflag:s18] =	ssyncset.done $0x0  }
0x3a: {  	[sflag:s18] =	ssyncadd.s32 $0xFFFFD800  }
0x3b: {  	[spmem:s12] =	stream.linear.scatter [tilespmem:s20], [sflag:$0x3], $0x2800, $0x38;
	[tilespmem:$0x1F780] =	vst v63  }
0x3c: {  	_ =	swait.ge [sflag:s18], $0x2800  }
0x3d: {  	[sflag:s18] =	ssyncset.done $0x0  }
0x3e: {  	[sflag:s18] =	ssyncadd.s32 $0xFFFFD800  }
0x3f: {  	[spmem:s13] =	stream.linear.scatter [tilespmem:s20], [sflag:$0x3], $0x2800, $0x38;
	[tilespmem:$0x1F780] =	vst v63  }
0x40: {  	_ =	swait.ge [sflag:s18], $0x2800  }
0x41: {  	[sflag:s18] =	ssyncset.done $0x0  }
0x42: {  	[sflag:s18] =	ssyncadd.s32 $0xFFFFD800  }
0x43: {  	[spmem:s14] =	stream.linear.scatter [tilespmem:s20], [sflag:$0x3], $0x2800, $0x38;
	[tilespmem:$0x1F780] =	vst v63  }
0x44: {  	_ =	swait.ge [sflag:s18], $0x2800  }
0x45: {  	[sflag:s18] =	ssyncset.done $0x0  }
0x46: {  	[sflag:s18] =	ssyncadd.s32 $0xFFFFD800  }
0x47: {  	[spmem:s15] =	stream.linear.scatter [tilespmem:s20], [sflag:$0x3], $0x2800, $0x38;
	[tilespmem:$0x1F780] =	vst v63  }
0x48: {  	_ =	swait.ge [sflag:s18], $0x2800  }
0x49: {  	[sflag:s18] =	ssyncset.done $0x0  }
0x4a: {  	[sflag:s18] =	ssyncadd.s32 $0xFFFFD800  }
0x4b: {  	s29 =	simm.s32 $0x0;
	[bflag:$0x0] =	sbarrier.arrive $0xFFFF  }
0x4c: {  	[tilespmem:s20], [sflag:$0x1] =	stream.indirect.gather [hbm4b:s1+s21], $0x80, s29, s21, $0xb8;
	[tilespmem:$0x1F780] =	vst v63  }
0x4d: {  	_ =	swait.ge [sflag:s22], $0x2800  }
0x4e: {  	[sflag:s22] =	ssyncset.done $0x0  }
0x4f: {  	s29 =	simm.s32 $0x50;
	[sflag:s22] =	ssyncadd.s32 $0xFFFFD800  }
0x50: {  	[tilespmem:s23], [sflag:$0x2] =	stream.indirect.gather [hbm4b:s1+s21], $0x80, s29, s21, $0xb8;
	[tilespmem:$0x1F780] =	vst v63  }
0x51: {  	s29 =	simm.s32 $0x2780  }
0x52: {  	[spmem:s3] =	stream.indirect.scatter.add.f32 [tilespmem:s20], [sflag:$0x3], $0x80, s29, s21, $0xb8;
	[tilespmem:$0x1F780] =	vst v63  }
0x53: {  	_ =	swait.ge [sflag:s18], $0x2800  }
0x54: {  	[sflag:s18] =	ssyncset.done $0x0  }
0x55: {  	[sflag:s18] =	ssyncadd.s32 $0xFFFFD800  }
0x56: {  	_ =	swait.ge [sflag:s25], $0x2800  }
0x57: {  	[sflag:s25] =	ssyncset.done $0x0  }
0x58: {  	s29 =	simm.s32 $0xA0;
	[sflag:s25] =	ssyncadd.s32 $0xFFFFD800  }
0x59: {  	[tilespmem:s20], [sflag:$0x1] =	stream.indirect.gather [hbm4b:s1+s21], $0x80, s29, s21, $0xb8;
	[tilespmem:$0x1F780] =	vst v63  }
0x5a: {  	s30 =	simm.s32 $0x2800  }
0x5b: {  	[spmem:s3] =	stream.indirect.scatter.add.f32 [tilespmem:s23], [sflag:$0x3], $0x80, s30, s21, $0xb8;
	[tilespmem:$0x1F780] =	vst v63  }
0x5c: {  	_ =	swait.ge [sflag:s18], $0x2800  }
0x5d: {  	s30 =	simm.s32 $0x400;
	[sflag:s18] =	ssyncset.done $0x0  }
.LBB2_4:
0x5e: {  	p0 =	sne.s32 s30, $0xF400;
	[sflag:s18] =	ssyncadd.s32 $0xFFFFD800;
	s29 =	sadd.s32 $0xA0, s29  }
0x5f: {  	s31 =	smov.u32 s30;
	s30 =	sadd.s32 $0x400, s30  }
0x60: {  	_ =	swait.ge [sflag:s22], $0x2800  }
0x61: {  	[sflag:s22] =	ssyncset.done $0x0  }
0x62: {  	s2 =	sadd.s32 $0xFFFFFFB0, s29;
	s31 =	sshra.s32 s31, $0x2;
	[sflag:s22] =	ssyncadd.s32 $0xFFFFD800  }
0x63: {  	[tilespmem:s23], [sflag:$0x2] =	stream.indirect.gather [hbm4b:s1+s21], $0x80, s2, s21, $0xb8;
	[tilespmem:$0x1F780] =	vst v63  }
0x64: {  	s2 =	sadd.s32 $0x2780, s31  }
0x65: {  	[spmem:s3] =	stream.indirect.scatter.add.f32 [tilespmem:s20], [sflag:$0x3], $0x80, s2, s21, $0xb8;
	[tilespmem:$0x1F780] =	vst v63  }
0x66: {  	_ =	swait.ge [sflag:s18], $0x2800  }
0x67: {  	[sflag:s18] =	ssyncset.done $0x0  }
0x68: {  	[sflag:s18] =	ssyncadd.s32 $0xFFFFD800  }
0x69: {  	_ =	swait.ge [sflag:s25], $0x2800  }
0x6a: {  	[sflag:s25] =	ssyncset.done $0x0  }
0x6b: {  	[sflag:s25] =	ssyncadd.s32 $0xFFFFD800  }
0x6c: {  	[tilespmem:s20], [sflag:$0x1] =	stream.indirect.gather [hbm4b:s1+s21], $0x80, s29, s21, $0xb8;
	[tilespmem:$0x1F780] =	vst v63  }
.Ltmp1:
0x6d: {  	_ = 	snop;
	(pc) =	sbr.rel @p0 .LBB2_4-.Ltmp1, $4  }
0x6e: {  	s2 =	sadd.s32 $0x2800, s31  }
0x6f: {  	[spmem:s3] =	stream.indirect.scatter.add.f32 [tilespmem:s23], [sflag:$0x3], $0x80, s2, s21, $0xb8;
	[tilespmem:$0x1F780] =	vst v63  }
0x70: {  	_ =	swait.ge [sflag:s18], $0x2800  }
0x71: {  	[sflag:s18] =	ssyncset.done $0x0  }
0x72: {  	[sflag:s18] =	ssyncadd.s32 $0xFFFFD800  }
0x73: {  	_ =	swait.ge [sflag:s22], $0x2800  }
0x74: {  	[sflag:s22] =	ssyncset.done $0x0  }
0x75: {  	[sflag:s22] =	ssyncadd.s32 $0xFFFFD800  }
0x76: {  	[spmem:s3] =	stream.indirect.scatter.add.f32 [tilespmem:s20], [sflag:$0x3], $0x80, s26, s21, $0xb8;
	[tilespmem:$0x1F780] =	vst v63  }
0x77: {  	_ =	swait.ge [sflag:s18], $0x2800  }
0x78: {  	s2 =	sshll.u32 s0, $0x6;
	s28 =	sadd.s32 $0x1, s28;
	[sflag:s18] =	ssyncset.done $0x0  }
0x79: {  	s29 =	sshrl.u32 s7, $0x3;
	p0 =	sne.s32 s28, s8;
	[sflag:s18] =	ssyncadd.s32 $0xFFFFD800  }
.Ltmp2:
0x7a: {  	s2 =	sor.u32 $0x1C03, s2;
	[bflag:$0x0] =	sbarrier.arrive $0xFFFF;
	(pc) =	sbr.rel @p0 .LBB2_1-.Ltmp2, $4  }
0x7b: {  	[hbm:s24], [sflag:s2] =	dma.local [spmem:s29], $0x2800  }
0x7c: {  	_ =	swait.ge [sflag:s18], $0x2800  }
0x7d: {  	[sflag:s18] =	ssyncset.done $0x0  }
0x7e: {  	[sflag:s18] =	ssyncadd.s32 $0xFFFFD800  }
0x7f: {  	_ =	sfence.sel $0x180000  }
0x80: {  	[bflag:$0x0] =	sbarrier.arrive $0xFFFF  }
0x81: {  	_ =	strace $0x9000004D  }
0x82: {  	[bflag:$0x2] =	sbarrier.arrive $0xFFFF  }
0x83: {  	p0 =	sne.s32 s0, $0x0;
	s0 =	rddreg [dreg:$0x3]  }
0x84: {  	s0 =	sadd.s32 @!p0 $0x100000, s0  }
0x85: {  	[sflag:s0] =	ssyncadd.tile.s32 @!p0 $0x1;
	_ =	shalt  }
.Lfunc_end2:
_tile_overlayer_lowered:
.L_overlay_start_2:
0x86: {  	(tag) =	ssettag $0x2  }
0x87: {  	s0 =	rddreg [dreg:$0x0];
	s2 =	stileid.u32  }
0x88: {  	s1 =	rddreg [dreg:$0x1];
	p0 =	sne.s32 s2, $0x0  }
0x89: {  	s3 =	rddreg [dreg:$0x2];
	[bflag:$0x3] =	sbarrier.arrive $0xFFFF;
	s2 =	simm.s32 @!p0 $0x1C03  }
0x8a: {  	[timem:s3], [sflag:s2] =	dma.local @!p0 [hbm:s0], s1  }
0x8b: {  	s0 =	simm.s32 @!p0 $0x3  }
0x8c: {  	_ =	swait.ge @!p0 [sflag:s0], s1  }
0x8d: {  	s1 =	ssub.s32 @!p0 $0x0, s1;
	[sflag:s0] =	ssyncset.done @!p0 $0x0  }
0x8e: {  	[sflag:s0] =	ssyncadd.s32 @!p0 s1  }
0x8f: {  	[bflag:$0x3] =	sbarrier.arrive $0xFFFF  }
0x90: {  	_ =	shalt  }

// kernel: kernel.8.cloned.1.call-start
scs
__scs_entry_jumppad:
0x0: {  	(pc) =	sbr.rel $0x88, $3  }
0x1: {  	(tag) =	ssettag $0x0;
	lr =	simm.s32 $0x1  }
0x2: {  	[smem:$0x3F9A] =	sst lr;
	_ =	strace $0xD0000000  }
0x3: {  	_ = 	snop  }
0x4: {  	_ = 	snop  }
0x5: {  	_ = 	snop  }
0x6: {  	_ = 	snop  }
0x7: {  	_ = 	snop  }
__scs_overlays_trampoline_lowered:
0x8: {  	[smem:$0x3FA9] =	sst s0  }
0x9: {  	[smem:$0x3FAA] =	sst s1  }
0xa: {  	[smem:$0x3FAB] =	sst s2  }
0xb: {  	[smem:$0x3FAC] =	sst s3  }
0xc: {  	[smem:$0x3FAD] =	sst s4  }
0xd: {  	[smem:$0x3FAE] =	sst s5  }
0xe: {  	[smem:$0x3FAF] =	sst s6  }
0xf: {  	[smem:$0x3FB0] =	sst s7  }
0x10: {  	[smem:$0x3FB1] =	sst s8  }
0x11: {  	[smem:$0x3FB2] =	sst s9;
	s0 =	simm.s32 @!p0 $0x0  }
0x12: {  	s1 =	sld [smem:$0x3F98];
	s0 =	simm.s32 @p0 $0x1  }
0x13: {  	[smem:$0x3FB3] =	sst s0;
	s0 =	simm.s32 @!p1 $0x0  }
0x14: {  	s2 =	sld [smem:$0x3F97];
	s0 =	simm.s32 @p1 $0x1  }
0x15: {  	[smem:$0x3FB4] =	sst s0;
	s0 =	simm.s32 @!p2 $0x0  }
0x16: {  	s3 =	sld [smem:$0x3FDB];
	s0 =	simm.s32 @p2 $0x1  }
0x17: {  	s4 =	simm.s32 $0x1BF5;
	[smem:$0x3FB6] =	sst s0  }
0x18: {  	s0 =	sld [smem:$0x3F99];
	_ =	swait.ge [sflag:s4], $0x0  }
0x19: {  	s7 =	sld [smem:$0x3F9A]  }
0x1a: {  	s8 =	sadd.s32 $0xFFFFE003, lr  }
0x1b: {  	s9 =	sadd.s32 $0xFFFFFEF7, lr;
	s5 =	simm.s32 $0xFFFFFFFF;
	p2 =	slt.u32 s8, $0xFFFFF086  }
0x1c: {  	p1 =	slt.u32 s9, $0xF7A;
	s5 =	simm.s32 @!p2 $0x0  }
0x1d: {  	s5 =	simm.s32 @p1 $0x1;
	p0 =	seq.s32 s7, s2  }
0x1e: {  	s7 =	smul.u32 @!p0 $0xF7A, s2;
	p2 =	seq.s32 @!p0 s5, $0x0  }
0x1f: {  	s9 =	smul.u32 $0xF7A, s1;
	s8 =	simm.s32 @!p0 $0x1BF5;
	p2 =	por !p2, p0  }
0x20: {  	[sflag:s8] =	ssyncset.s32 @!p0 $0xFFFFF086;
	s6 =	sadd.s32 @!p0 s3, s7;
	s7 =	simm.s32 @!p0 $0x108  }
0x21: {  	s3 =	sadd.s32 s3, s9;
	s6 =	sadd.s32 @!p0 $0x88, s6;
	s7 =	simm.s32 @p2 $0x1082  }
0x22: {  	[simem:s7], [sflag:s8] =	dma.local @!p0 [hbm:s6], $0xF7A  }
0x23: {  	s9 =	sor.u32 $0xD0000000, s2;
	s6 =	simm.s32 $0x108;
	_ =	swait.ge @!p0 [sflag:s8], $0x0  }
0x24: {  	s3 =	sadd.s32 $0x88, s3;
	s6 =	simm.s32 @!p1 $0x1082;
	[sflag:s4] =	ssyncset.s32 $0xFFFFF086  }
0x25: {  	[simem:s6], [sflag:s4] =	dma.local [hbm:s3], $0xF7A  }
0x26: {  	[smem:$0x3F9A] =	sst s1;
	(tag) =	ssettag s2;
	_ =	strace s9  }
0x27: {  	s1 =	sld [smem:$0x3FAA]  }
0x28: {  	s2 =	sld [smem:$0x3FAB]  }
0x29: {  	s4 =	sld [smem:$0x3FAD]  }
0x2a: {  	p0 =	seq.s32 s5, $0x0;
	s5 =	sld [smem:$0x3FAE]  }
0x2b: {  	s6 =	sld [smem:$0x3FAF]  }
0x2c: {  	s7 =	sld [smem:$0x3FB0]  }
0x2d: {  	s3 =	simm.s32 $0x108;
	s8 =	sld [smem:$0x3FB1]  }
0x2e: {  	s3 =	simm.s32 @!p0 $0x1082;
	s9 =	sld [smem:$0x3FB2]  }
0x2f: {  	lr =	sadd.s32 s0, s3;
	s0 =	sld [smem:$0x3FA9]  }
0x30: {  	s3 =	sld [smem:$0x3FAC]  }
0x31: {  	[smem:$0x3FB5] =	sst s10  }
0x32: {  	s10 =	sld [smem:$0x3FB3];
	_ =	sdelay $0x3  }
0x33: {  	p0 =	seq.s32 s10, $0x1;
	s10 =	sld [smem:$0x3FB5];
	_ =	sdelay $0x3  }
0x34: {  	[smem:$0x3FB5] =	sst s10  }
0x35: {  	s10 =	sld [smem:$0x3FB4];
	_ =	sdelay $0x3  }
0x36: {  	p1 =	seq.s32 s10, $0x1;
	s10 =	sld [smem:$0x3FB5];
	_ =	sdelay $0x3  }
0x37: {  	[smem:$0x3FB5] =	sst s10  }
0x38: {  	s10 =	sld [smem:$0x3FB6]  }
0x39: {  	_ = 	snop;
	(pc) =	sbr.ind lr, $3  }
0x3a: {  	_ = 	snop  }
0x3b: {  	_ = 	snop  }
0x3c: {  	p2 =	seq.s32 s10, $0x1;
	s10 =	sld [smem:$0x3FB5]  }
0x3d: {  	_ =	shalt  }
0x3e: {  	_ =	shalt  }
0x3f: {  	_ =	shalt  }
0x40: {  	_ =	shalt  }
0x41: {  	_ =	shalt  }
0x42: {  	_ =	shalt  }
0x43: {  	_ =	shalt  }
0x44: {  	_ =	shalt  }
0x45: {  	_ =	shalt  }
0x46: {  	_ =	shalt  }
0x47: {  	_ =	shalt  }
0x48: {  	_ =	shalt  }
0x49: {  	_ =	shalt  }
0x4a: {  	_ =	shalt  }
0x4b: {  	_ =	shalt  }
0x4c: {  	_ =	shalt  }
0x4d: {  	_ =	shalt  }
0x4e: {  	_ =	shalt  }
0x4f: {  	_ =	shalt  }
0x50: {  	_ =	shalt  }
0x51: {  	_ =	shalt  }
0x52: {  	_ =	shalt  }
0x53: {  	_ =	shalt  }
0x54: {  	_ =	shalt  }
0x55: {  	_ =	shalt  }
0x56: {  	_ =	shalt  }
0x57: {  	_ =	shalt  }
0x58: {  	_ =	shalt  }
0x59: {  	_ =	shalt  }
0x5a: {  	_ =	shalt  }
0x5b: {  	_ =	shalt  }
0x5c: {  	_ =	shalt  }
0x5d: {  	_ =	shalt  }
0x5e: {  	_ =	shalt  }
0x5f: {  	_ =	shalt  }
0x60: {  	_ =	shalt  }
0x61: {  	_ =	shalt  }
0x62: {  	_ =	shalt  }
0x63: {  	_ =	shalt  }
0x64: {  	_ =	shalt  }
0x65: {  	_ =	shalt  }
0x66: {  	_ =	shalt  }
0x67: {  	_ =	shalt  }
0x68: {  	_ =	shalt  }
0x69: {  	_ =	shalt  }
0x6a: {  	_ =	shalt  }
0x6b: {  	_ =	shalt  }
0x6c: {  	_ =	shalt  }
0x6d: {  	_ =	shalt  }
0x6e: {  	_ =	shalt  }
0x6f: {  	_ =	shalt  }
0x70: {  	_ =	shalt  }
0x71: {  	_ =	shalt  }
0x72: {  	_ =	shalt  }
0x73: {  	_ =	shalt  }
0x74: {  	_ =	shalt  }
0x75: {  	_ =	shalt  }
0x76: {  	_ =	shalt  }
0x77: {  	_ =	shalt  }
0x78: {  	_ =	shalt  }
0x79: {  	_ =	shalt  }
0x7a: {  	_ =	shalt  }
0x7b: {  	_ =	shalt  }
0x7c: {  	_ =	shalt  }
0x7d: {  	_ =	shalt  }
0x7e: {  	_ =	shalt  }
0x7f: {  	_ =	shalt  }
0x80: {  	_ =	shalt  }
0x81: {  	_ =	shalt  }
0x82: {  	_ =	shalt  }
0x83: {  	_ =	shalt  }
0x84: {  	_ =	shalt  }
0x85: {  	_ =	shalt  }
0x86: {  	_ =	shalt  }
0x87: {  	_ =	shalt  }
.Lfunc_end0:
.L_simem_size_0:
called_computation_lowered:
.L_overlay_start_0:
0x88: {  	s2 =	sld [smem:$0x3FD9]  }
0x89: {  	s3 =	sld [smem:$0x3FFE];
	_ =	sdelay $0x1  }
0x8a: {  	s1 =	srdreg.scid  }
0x8b: {  	s0 =	sand.u32 $0x1, s1  }
0x8c: {  	s14 =	sshll.u32 s0, $0xA;
	s2 =	sadd.s32 s3, s2  }
0x8d: {  	s2 =	sadd.s32 s2, s14  }
0x8e: {  	[smem:$0x3FC1] =	sst s2  }
0x8f: {  	_ = 	snop  }
0x90: {  	s2 =	sld [smem:$0x3FD0];
	_ =	sdelay $0x2  }
0x91: {  	s15 =	simm.s32 $0xA;
	s4 =	simm.s32 $0x10  }
0x92: {  	[smem:s4], [sflag:s15] =	dma.local [hbm:s2], $0x1  }
0x93: {  	_ =	swait.eq [sflag:s15], $0x1  }
0x94: {  	[sflag:s15] =	ssyncset.done $0x0  }
0x95: {  	[sflag:s15] =	ssyncadd.s32 $0xFFFFFFFF  }
0x96: {  	s16 =	sld [smem:$0x10];
	(tm) =	ssettm $0x1  }
0x97: {  	s17 =	sld [smem:$0x3FFB];
	_ =	sdelay $0x3  }
0x98: {  	_ =	strace s17  }
0x99: {  	s3 =	sld [smem:$0x3FFC];
	_ =	sdelay $0x3  }
0x9a: {  	_ =	strace s3  }
0x9b: {  	s3 =	sld [smem:$0x3FFD];
	_ =	sdelay $0x3  }
0x9c: {  	_ =	strace s3  }
0x9d: {  	_ =	strace $0x8FFFFFFF  }
0x9e: {  	s18 =	sld [smem:$0x3FDB];
	_ =	sdelay $0x1  }
0x9f: {  	s19 =	simm.s32 $_scs_section_size  }
0xa0: {  	s5 =	simm.s32 $_size__tile_overlayer_lowered;
	s6 =	simm.s32 $_tile_overlayer_lowered  }
0xa1: {  	s22 =	simm.s32 $0x1BFF;
	s21 =	sshll.u32 s6, $0x1;
	s3 =	sadd.s32 s19, s18  }
0xa2: {  	s7 =	simm.s32 $0x0;
	s20 =	sshll.u32 s5, $0x1;
	s5 =	sadd.s32 s21, s3  }
0xa3: {  	[timem:s7], [sflag:s22] =	dma.local [hbm:s5], s20  }
0xa4: {  	_ =	swait.ge [sflag:s22], s20  }
0xa5: {  	s4 =	ssub.s32 $0x0, s20;
	[sflag:s22] =	ssyncset.done $0x0  }
0xa6: {  	[sflag:s22] =	ssyncadd.s32 s4;
	_ =	sdelay $0x1  }
0xa7: {  	s23 =	simm.s32 $0x1B8B  }
0xa8: {  	_ =	swait.ge [sflag:s23], $0x1  }
0xa9: {  	[sflag:s23] =	ssyncset.done $0x0  }
0xaa: {  	s25 =	simm.s32 $0x1B8E;
	s24 =	sld [smem:$0x3FFE];
	[sflag:s23] =	ssyncadd.s32 $0xFFFFFFFF  }
0xab: {  	s26 =	simm.s32 $execute0_lowered;
	[smem:$0x3FD2] =	sst s25  }
0xac: {  	s5 =	sshll.u32 s26, $0x1;
	_ =	strace $0x80000046;
	[dreg:$0x1] =	wrdreg $0xFFFFFFFF  }
0xad: {  	s28 =	simm.s32 $_size_execute0_lowered;
	s3 =	sadd.s32 s3, s5;
	[dreg:$0x0] =	wrdreg $0x0  }
0xae: {  	s5 =	sshll.u32 s28, $0x1;
	[dreg:$0x2] =	wrdreg s3  }
0xaf: {  	[dreg:$0x3] =	wrdreg s5  }
0xb0: {  	[dreg:$0x4] =	wrdreg $0xC0  }
0xb1: {  	_ =	task [dreg:s7], $0x5FFFF  }
0xb2: {  	[dreg:$0x1] =	wrdreg $0xFFFFFFFF  }
0xb3: {  	[dreg:$0x0] =	wrdreg $0x60  }
0xb4: {  	[dreg:$0x2] =	wrdreg s24  }
0xb5: {  	[dreg:$0x3] =	wrdreg s16  }
0xb6: {  	[dreg:$0x4] =	wrdreg $0x43000  }
0xb7: {  	[dreg:$0x5] =	wrdreg $0x9  }
0xb8: {  	_ =	task.clear_ibuf [dreg:s7], $0x6FFFF;
	_ =	strace $0x90000046  }
0xb9: {  	s29 =	simm.s32 $0x9;
	_ =	strace $0x80000048  }
0xba: {  	_ =	swait.ge [sflag:s29], $0x1  }
0xbb: {  	[sflag:s29] =	ssyncadd.s32 $0xFFFFFFFF  }
0xbc: {  	_ =	strace $0x90000048  }
0xbd: {  	_ =	sfence  }
0xbe: {  	s30 =	sld [smem:$0x0];
	_ =	sdelay $0x2  }
0xbf: {  	s31 =	sshll.u32 s1, $0xD;
	s1 =	sshrl.u32 s1, $0x2  }
0xc0: {  	s3 =	sand.u32 $0x4000, s31;
	s1 =	sadd.s32 s1, s30  }
0xc1: {  	s0 =	sor.u32 s3, s0;
	s1 =	sshll.u32 s1, $0x11  }
0xc2: {  	s0 =	sor.u32 s1, s0  }
0xc3: {  	s0 =	sadd.s32 $0x8F2B, s0  }
0xc4: {  	[sflag:s0] =	ssyncadd.remote.s32 $0x1  }
0xc5: {  	_ =	sfence.sel $0xFFFF  }
0xc6: {  	[dreg:$0x0] =	wrdreg $0xFFFFFFFF;
	(pc) =	sbr.abs _section_cstart, $3  }
0xc7: {  	[dreg:$0x1] =	wrdreg $0xFFFFFFFF  }
0xc8: {  	_ =	task.clear_ibuf [dreg:s7], $0x2FFFF;
	_ =	strace $0x9FFFFFFF  }
0xc9: {  	(tm) =	ssettm $0x7FFFFFFF  }
tec
execute0_lowered:
.L_overlay_start_1:
0x0: {  	(tag) =	ssettag $0x1  }
0x1: {  	s4 =	rddreg [dreg:$0x0]  }
0x2: {  	s6 =	rddreg [dreg:$0x1]  }
0x3: {  	s1 =	rddreg [dreg:$0x2]  }
0x4: {  	s0 =	rddreg [dreg:$0x3]  }
0x5: {  	s3 =	simm.s32 $0x0;
	s5 =	srdreg.scid;
	s2 =	stileid.u32  }
0x6: {  	s11 =	simm.s32 $0x1;
	s15 =	simm.s32 $0x20;
	s16 =	simm.s32 $0x10  }
0x7: {  	s17 =	simm.s32 $0x0;
	[smem:$0x7FF] =	sst s3;
	s9 =	smul.u32 $0xA00, s2  }
0x8: {  	s7 =	sand.u32 $0x1, s5;
	s29 =	sshll.u32 s2, $0xB;
	s13 =	smul.u32 $0xA0, s2  }
0x9: {  	s14 =	sshll.u32 s2, $0x6;
	_ =	strace $0x80000047;
	s8 =	ssub.s32 $0x2, s7  }
0xa: {  	s4 =	sadd.s32 s29, s4;
	s10 =	sshll.u32 s7, $0xF;
	s7 =	sshll.u32 s7, $0x4  }
0xb: {  	s30 =	sshrl.u32 s8, $0x1;
	s4 =	sadd.s32 s10, s4;
	s31 =	sshrl.u32 s9, $0x2  }
0xc: {  	s12 =	sadd.s32 s6, s7;
	s7 =	simm.s32 $0x2;
	s9 =	simm.s32 $0x50  }
0xd: {  	s10 =	simm.s32 $0x4000;
	s8 =	ssub.s32 s8, s30;
	s4 =	sadd.s32 $0x2400, s4  }
0xe: {  	s5 =	sadd.s32 s31, s1;
	s12 =	sadd.s32 s13, s12;
	s13 =	sor.u32 $0x1C02, s14  }
0xf: {  	v0 =	vimm.f32 $1.000000000e+00;
	v1 =	vimm.f32 $0.0e+00;
	s6 =	smax.u32 s8, $0x1;
	s8 =	simm.s32 $0x4080;
	s14 =	sshrl.u32 s5, $0x3  }
.LBB2_1:
0x10: {  	[tilespmem:s3], [sflag:$0x2] =	stream.linear.gather [hbm4b:s4+s3], $0x3E80, $0x38;
	[tilespmem:$0x4580] =	vst v63  }
0x11: {  	_ =	swait.ge [sflag:s7], $0x3E80  }
0x12: {  	[sflag:s7] =	ssyncset.done $0x0  }
0x13: {  	[sflag:s7] =	ssyncadd.s32 $0xFFFFC180  }
0x14: {  	[tilespmem:$0x4000] =	vst v0  }
0x15: {  	[tilespmem:$0x4010] =	vst v0  }
0x16: {  	[tilespmem:$0x4020] =	vst v0  }
0x17: {  	[tilespmem:$0x4030] =	vst v0  }
0x18: {  	[tilespmem:$0x4040] =	vst v0  }
0x19: {  	[tilespmem:$0x4080] =	vst v1  }
0x1a: {  	[tilespmem:$0x4090] =	vst v1  }
0x1b: {  	[tilespmem:$0x40A0] =	vst v1  }
0x1c: {  	[tilespmem:$0x40B0] =	vst v1  }
0x1d: {  	[tilespmem:$0x40C0] =	vst v1  }
0x1e: {  	[tilespmem:$0x40D0] =	vst v1  }
0x1f: {  	[tilespmem:$0x40E0] =	vst v1  }
0x20: {  	[tilespmem:$0x40F0] =	vst v1  }
0x21: {  	[tilespmem:$0x4100] =	vst v1  }
0x22: {  	[tilespmem:$0x4110] =	vst v1  }
0x23: {  	[tilespmem:$0x4120] =	vst v1  }
0x24: {  	[tilespmem:$0x4130] =	vst v1  }
0x25: {  	[tilespmem:$0x4140] =	vst v1  }
0x26: {  	[tilespmem:$0x4150] =	vst v1  }
0x27: {  	[tilespmem:$0x4160] =	vst v1  }
0x28: {  	[tilespmem:$0x4170] =	vst v1  }
0x29: {  	[tilespmem:$0x4180] =	vst v1  }
0x2a: {  	[tilespmem:$0x4190] =	vst v1  }
0x2b: {  	[tilespmem:$0x41A0] =	vst v1  }
0x2c: {  	[tilespmem:$0x41B0] =	vst v1  }
0x2d: {  	[tilespmem:$0x41C0] =	vst v1  }
0x2e: {  	[tilespmem:$0x41D0] =	vst v1  }
0x2f: {  	[tilespmem:$0x41E0] =	vst v1  }
0x30: {  	[tilespmem:$0x41F0] =	vst v1  }
0x31: {  	[tilespmem:$0x4200] =	vst v1  }
0x32: {  	[tilespmem:$0x4210] =	vst v1  }
0x33: {  	[tilespmem:$0x4220] =	vst v1  }
0x34: {  	[tilespmem:$0x4230] =	vst v1  }
0x35: {  	[tilespmem:$0x4240] =	vst v1  }
0x36: {  	[tilespmem:$0x4250] =	vst v1  }
0x37: {  	[tilespmem:$0x4260] =	vst v1  }
0x38: {  	[tilespmem:$0x4270] =	vst v1  }
0x39: {  	[tilespmem:$0x4280] =	vst v1  }
0x3a: {  	[tilespmem:$0x4290] =	vst v1  }
0x3b: {  	[tilespmem:$0x42A0] =	vst v1  }
0x3c: {  	[tilespmem:$0x42B0] =	vst v1  }
0x3d: {  	[tilespmem:$0x42C0] =	vst v1  }
0x3e: {  	[tilespmem:$0x42D0] =	vst v1  }
0x3f: {  	[tilespmem:$0x42E0] =	vst v1  }
0x40: {  	[tilespmem:$0x42F0] =	vst v1  }
0x41: {  	[spmem:s5] =	stream.linear.scatter [tilespmem:s8], [sflag:$0x2], $0x280, $0x38;
	[tilespmem:$0x4580] =	vst v63  }
0x42: {  	_ =	swait.ge [sflag:s7], $0x280  }
0x43: {  	[sflag:s7] =	ssyncset.done $0x0  }
0x44: {  	[sflag:s7] =	ssyncadd.s32 $0xFFFFFD80  }
0x45: {  	s18 =	simm.s32 $0x0;
	[bflag:$0x0] =	sbarrier.arrive $0xFFFF  }
0x46: {  	[spmem:s1] =	stream.indirect.scatter.add.f32 [tilespmem:s10], [sflag:$0x1], $0x1, s18, s9, $0xb8;
	[tilespmem:$0x4580] =	vst v63  }
0x47: {  	s28 =	simm.s32 $0x80  }
0x48: {  	[spmem:s1] =	stream.indirect.scatter.add.f32 [tilespmem:s10], [sflag:$0x1], $0x1, s28, s9, $0xb8;
	[tilespmem:$0x4580] =	vst v63  }
0x49: {  	s29 =	simm.s32 $0x100  }
0x4a: {  	[spmem:s1] =	stream.indirect.scatter.add.f32 [tilespmem:s10], [sflag:$0x1], $0x1, s29, s9, $0xb8;
	[tilespmem:$0x4580] =	vst v63  }
0x4b: {  	s30 =	simm.s32 $0x180  }
0x4c: {  	[spmem:s1] =	stream.indirect.scatter.add.f32 [tilespmem:s10], [sflag:$0x1], $0x1, s30, s9, $0xb8;
	[tilespmem:$0x4580] =	vst v63  }
0x4d: {  	s31 =	simm.s32 $0x200  }
0x4e: {  	[spmem:s1] =	stream.indirect.scatter.add.f32 [tilespmem:s10], [sflag:$0x1], $0x1, s31, s9, $0xb8;
	[tilespmem:$0x4580] =	vst v63  }
0x4f: {  	_ =	swait.ge [sflag:s11], $0x50  }
0x50: {  	[sflag:s11] =	ssyncset.done $0x0  }
0x51: {  	[sflag:s11] =	ssyncadd.s32 $0xFFFFFFB0  }
0x52: {  	_ =	swait.ge [sflag:s11], $0x50  }
0x53: {  	[sflag:s11] =	ssyncset.done $0x0  }
0x54: {  	[sflag:s11] =	ssyncadd.s32 $0xFFFFFFB0  }
0x55: {  	_ =	swait.ge [sflag:s11], $0x50  }
0x56: {  	[sflag:s11] =	ssyncset.done $0x0  }
0x57: {  	[sflag:s11] =	ssyncadd.s32 $0xFFFFFFB0  }
0x58: {  	_ =	swait.ge [sflag:s11], $0x50  }
0x59: {  	[sflag:s11] =	ssyncset.done $0x0  }
0x5a: {  	[sflag:s11] =	ssyncadd.s32 $0xFFFFFFB0  }
0x5b: {  	_ =	swait.ge [sflag:s11], $0x50  }
0x5c: {  	s19 =	simm.s32 $0x1400;
	s18 =	simm.s32 $0xA00;
	[sflag:s11] =	ssyncset.done $0x0  }
.LBB2_2:
0x5d: {  	s20 =	sshra.s32 s18, $0x2  }
0x5e: {  	[sflag:s11] =	ssyncadd.s32 $0xFFFFFFB0;
	s18 =	smov.u32 s19;
	s21 =	sadd.s32 $0xA00, s19  }
0x5f: {  	[spmem:s1] =	stream.indirect.scatter.add.f32 [tilespmem:s10], [sflag:$0x1], $0x1, s20, s9, $0xb8;
	[tilespmem:$0x4580] =	vst v63  }
0x60: {  	p0 =	sne.s32 s19, $0xF000;
	s19 =	sadd.s32 $0x80, s20  }
0x61: {  	[spmem:s1] =	stream.indirect.scatter.add.f32 [tilespmem:s10], [sflag:$0x1], $0x1, s19, s9, $0xb8;
	[tilespmem:$0x4580] =	vst v63  }
0x62: {  	s19 =	sadd.s32 $0x100, s20  }
0x63: {  	[spmem:s1] =	stream.indirect.scatter.add.f32 [tilespmem:s10], [sflag:$0x1], $0x1, s19, s9, $0xb8;
	[tilespmem:$0x4580] =	vst v63  }
0x64: {  	s19 =	sadd.s32 $0x180, s20  }
0x65: {  	[spmem:s1] =	stream.indirect.scatter.add.f32 [tilespmem:s10], [sflag:$0x1], $0x1, s19, s9, $0xb8;
	[tilespmem:$0x4580] =	vst v63  }
0x66: {  	s19 =	sadd.s32 $0x200, s20  }
0x67: {  	[spmem:s1] =	stream.indirect.scatter.add.f32 [tilespmem:s10], [sflag:$0x1], $0x1, s19, s9, $0xb8;
	[tilespmem:$0x4580] =	vst v63  }
0x68: {  	_ =	swait.ge [sflag:s11], $0x50  }
0x69: {  	[sflag:s11] =	ssyncset.done $0x0  }
0x6a: {  	[sflag:s11] =	ssyncadd.s32 $0xFFFFFFB0  }
0x6b: {  	_ =	swait.ge [sflag:s11], $0x50  }
0x6c: {  	[sflag:s11] =	ssyncset.done $0x0  }
0x6d: {  	[sflag:s11] =	ssyncadd.s32 $0xFFFFFFB0  }
0x6e: {  	_ =	swait.ge [sflag:s11], $0x50  }
0x6f: {  	[sflag:s11] =	ssyncset.done $0x0  }
0x70: {  	[sflag:s11] =	ssyncadd.s32 $0xFFFFFFB0  }
.Ltmp0:
0x71: {  	_ =	swait.ge [sflag:s11], $0x50;
	(pc) =	sbr.rel @p0 .LBB2_2-.Ltmp0, $4  }
0x72: {  	[sflag:s11] =	ssyncset.done $0x0  }
0x73: {  	[sflag:s11] =	ssyncadd.s32 $0xFFFFFFB0  }
0x74: {  	_ =	swait.ge [sflag:s11], $0x50  }
0x75: {  	s19 =	smov.u32 s21;
	[sflag:s11] =	ssyncset.done $0x0  }
0x76: {  	s18 =	sshra.s32 s18, $0x2;
	[sflag:s11] =	ssyncadd.s32 $0xFFFFFFB0  }
0x77: {  	[spmem:s1] =	stream.indirect.scatter.add.f32 [tilespmem:s10], [sflag:$0x1], $0x1, s18, s9, $0xb8;
	[tilespmem:$0x4580] =	vst v63  }
0x78: {  	s19 =	sadd.s32 $0x80, s18  }
0x79: {  	[spmem:s1] =	stream.indirect.scatter.add.f32 [tilespmem:s10], [sflag:$0x1], $0x1, s19, s9, $0xb8;
	[tilespmem:$0x4580] =	vst v63  }
0x7a: {  	s30 =	sadd.s32 $0x100, s18  }
0x7b: {  	[spmem:s1] =	stream.indirect.scatter.add.f32 [tilespmem:s10], [sflag:$0x1], $0x1, s30, s9, $0xb8;
	[tilespmem:$0x4580] =	vst v63  }
0x7c: {  	s31 =	sadd.s32 $0x180, s18  }
0x7d: {  	[spmem:s1] =	stream.indirect.scatter.add.f32 [tilespmem:s10], [sflag:$0x1], $0x1, s31, s9, $0xb8;
	[tilespmem:$0x4580] =	vst v63  }
0x7e: {  	s18 =	sadd.s32 $0x200, s18  }
0x7f: {  	[spmem:s1] =	stream.indirect.scatter.add.f32 [tilespmem:s10], [sflag:$0x1], $0x1, s18, s9, $0xb8;
	[tilespmem:$0x4580] =	vst v63  }
0x80: {  	_ =	swait.ge [sflag:s11], $0x50  }
0x81: {  	[sflag:s11] =	ssyncset.done $0x0  }
0x82: {  	[sflag:s11] =	ssyncadd.s32 $0xFFFFFFB0  }
0x83: {  	_ =	swait.ge [sflag:s11], $0x50  }
0x84: {  	[sflag:s11] =	ssyncset.done $0x0  }
0x85: {  	[sflag:s11] =	ssyncadd.s32 $0xFFFFFFB0  }
0x86: {  	_ =	swait.ge [sflag:s11], $0x50  }
0x87: {  	[sflag:s11] =	ssyncset.done $0x0  }
0x88: {  	[sflag:s11] =	ssyncadd.s32 $0xFFFFFFB0  }
0x89: {  	_ =	swait.ge [sflag:s11], $0x50  }
0x8a: {  	[sflag:s11] =	ssyncset.done $0x0  }
0x8b: {  	[sflag:s11] =	ssyncadd.s32 $0xFFFFFFB0  }
0x8c: {  	_ =	swait.ge [sflag:s11], $0x50  }
0x8d: {  	s17 =	sadd.s32 $0x1, s17;
	[sflag:s11] =	ssyncset.done $0x0  }
0x8e: {  	p0 =	sne.s32 s17, s6;
	[sflag:s11] =	ssyncadd.s32 $0xFFFFFFB0  }
.Ltmp1:
0x8f: {  	[bflag:$0x0] =	sbarrier.arrive $0xFFFF;
	(pc) =	sbr.rel @p0 .LBB2_1-.Ltmp1, $4  }
0x90: {  	[hbm:s12@s15], [sflag:s13] =	dma.strided [spmem:s14@s16], $0x50, s11, $0x10   }
0x91: {  	_ =	swait.ge [sflag:s7], $0x50  }
0x92: {  	[sflag:s7] =	ssyncset.done $0x0  }
0x93: {  	[sflag:s7] =	ssyncadd.s32 $0xFFFFFFB0  }
0x94: {  	_ =	sfence.sel $0x180000  }
0x95: {  	[bflag:$0x0] =	sbarrier.arrive $0xFFFF  }
0x96: {  	p0 =	sne.s32 s2, $0x0;
	_ =	strace $0x90000047  }
0x97: {  	s0 =	sadd.s32 @!p0 $0x100000, s0;
	[bflag:$0x2] =	sbarrier.arrive $0xFFFF  }
0x98: {  	[sflag:s0] =	ssyncadd.tile.s32 @!p0 $0x1;
	_ =	shalt  }
.Lfunc_end2:
_tile_overlayer_lowered:
.L_overlay_start_2:
0x99: {  	(tag) =	ssettag $0x2  }
0x9a: {  	s0 =	rddreg [dreg:$0x0];
	s2 =	stileid.u32  }
0x9b: {  	s1 =	rddreg [dreg:$0x1];
	p0 =	sne.s32 s2, $0x0  }
0x9c: {  	s3 =	rddreg [dreg:$0x2];
	[bflag:$0x3] =	sbarrier.arrive $0xFFFF;
	s2 =	simm.s32 @!p0 $0x1C02  }
0x9d: {  	[timem:s3], [sflag:s2] =	dma.local @!p0 [hbm:s0], s1  }
0x9e: {  	s0 =	simm.s32 @!p0 $0x2  }
0x9f: {  	_ =	swait.ge @!p0 [sflag:s0], s1  }
0xa0: {  	s1 =	ssub.s32 @!p0 $0x0, s1;
	[sflag:s0] =	ssyncset.done @!p0 $0x0  }
0xa1: {  	[sflag:s0] =	ssyncadd.s32 @!p0 s1  }
0xa2: {  	[bflag:$0x3] =	sbarrier.arrive $0xFFFF  }
0xa3: {  	_ =	shalt  }

</sc_bundles>
